<compile_context>
chip_gen: v7x
topology: tpu7x:2x2x1
jax: 0.10.2.dev20260603
libtpu: 0.0.44.dev20260713+nightly
codegen_flags: <defaults>
</compile_context>

<pallas_src>
import jax
import jax.numpy as jnp
from jax.experimental import pallas as pl
from jax.experimental.pallas import tpu as pltpu
from jax.experimental.pallas import tpu_sc as plsc

_DIM = 768
_HIDDEN = 1024
_E = 8
_TOKENS = 8192
_Z_COEF = 0.001
_LOAD_COEF = 0.001

_TB = 256
_NBLK = _TOKENS // _TB
_TBR = 1024
_NBR = _TOKENS // _TBR
_CAP_BLOCKS = _NBLK + _E - 1
_CAP = _CAP_BLOCKS * _TB
_SCW = 128


def _route_body(x_ref, rw_ref, pos_ref, bg_ref, aux_ref,
                e_scr, rank_scr, cnt_scr, lse_scr, load_scr):
    b = pl.program_id(0)

    @pl.when(b == 0)
    def _init():
        cnt_scr[...] = jnp.zeros_like(cnt_scr)
        lse_scr[...] = jnp.zeros_like(lse_scr)
        load_scr[...] = jnp.zeros_like(load_scr)

    @pl.when(b < _NBR)
    def _block():
        xb = x_ref[...]
        rw = rw_ref[...]
        logits = jax.lax.dot_general(
            rw, xb, (((1,), (1,)), ((), ())))
        m = jnp.max(logits, axis=0, keepdims=True)
        iota_e = jax.lax.broadcasted_iota(jnp.int32, (_E, _TBR), 0)
        e = jnp.min(jnp.where(logits == m, iota_e, _E), axis=0,
                    keepdims=True)
        ex = jnp.exp(logits - m)
        s = jnp.sum(ex, axis=0, keepdims=True)
        lse_scr[...] += m + jnp.log(s)
        load_scr[...] += ex / s
        oh = (iota_e == e).astype(jnp.float32)
        jr = jax.lax.broadcasted_iota(jnp.int32, (_TBR, _TBR), 0)
        ir = jax.lax.broadcasted_iota(jnp.int32, (_TBR, _TBR), 1)
        tri = (jr < ir).astype(jnp.float32)
        rank_ex = jax.lax.dot_general(
            oh, tri, (((1,), (0,)), ((), ())),
            preferred_element_type=jnp.float32)
        cnt = cnt_scr[...]
        rank_g = jnp.sum(oh * (rank_ex + cnt), axis=0,
                         keepdims=True)
        cnt_scr[...] = cnt + jnp.sum(oh, axis=1, keepdims=True)
        e_scr[pl.ds(b, 1), :] = e
        rank_scr[pl.ds(b, 1), :] = rank_g

    @pl.when(b == _NBR)
    def _fin():
        cnt = cnt_scr[...]
        pc = jnp.ceil(cnt / _TB) * _TB
        ar = jax.lax.broadcasted_iota(jnp.int32, (_E, _E), 0)
        ac = jax.lax.broadcasted_iota(jnp.int32, (_E, _E), 1)
        low = (ac < ar).astype(jnp.float32)
        off = jax.lax.dot_general(
            low, pc, (((1,), (0,)), ((), ())),
            preferred_element_type=jnp.float32)

        bl = (jax.lax.broadcasted_iota(jnp.int32, (1, 128), 1)
              .astype(jnp.float32) * _TB)
        ge = jnp.sum(((off + pc) <= bl).astype(jnp.int32), axis=0,
                     keepdims=True)
        bg_ref[0:1, :] = jnp.minimum(ge, _E - 1)

        lse_sum = jnp.sum(lse_scr[...], axis=1, keepdims=True)
        mean_lse = lse_sum / _TOKENS
        z_loss = mean_lse * mean_lse
        load = jnp.sum(load_scr[...], axis=1, keepdims=True)
        mean_l = jnp.sum(load, axis=0, keepdims=True) / _E
        var = jnp.sum((load - mean_l) ** 2, axis=0,
                      keepdims=True) / (_E - 1)
        cv2 = var / (mean_l * mean_l)
        aux_ref[...] = _Z_COEF * z_loss + _LOAD_COEF * cv2

        ev = e_scr[...]
        p = rank_scr[...]
        for k in range(_E):
            p += jnp.where(ev == k, off[k:k + 1, 0:1], 0.0)
        pos_ref[...] = p.astype(jnp.int32)


def _route(x, router_w):
    return pl.pallas_call(
        _route_body,
        grid=(_NBR + 1,),
        in_specs=[
            pl.BlockSpec((_TBR, _DIM), lambda i: (jnp.minimum(i, _NBR - 1), 0)),
            pl.BlockSpec((_E, _DIM), lambda i: (0, 0)),
        ],
        out_specs=[
            pl.BlockSpec((_NBR, _TBR), lambda i: (0, 0)),
            pl.BlockSpec((8, 128), lambda i: (0, 0)),
            pl.BlockSpec((1, 1), lambda i: (0, 0)),
        ],
        out_shape=[
            jax.ShapeDtypeStruct((_NBR, _TBR), jnp.int32),
            jax.ShapeDtypeStruct((8, 128), jnp.int32),
            jax.ShapeDtypeStruct((1, 1), jnp.float32),
        ],
        scratch_shapes=[
            pltpu.VMEM((_NBR, _TBR), jnp.int32),
            pltpu.VMEM((_NBR, _TBR), jnp.float32),
            pltpu.VMEM((_E, 1), jnp.float32),
            pltpu.VMEM((1, _TBR), jnp.float32),
            pltpu.VMEM((_E, _TBR), jnp.float32),
        ],
    )(x, router_w)


def _moe_body(bg_ref, xs_ref, w1_ref, w2_ref, w3_ref, ys_ref):
    del bg_ref
    xb = xs_ref[...]
    h1 = jax.lax.dot_general(
        xb, w1_ref[0], (((1,), (1,)), ((), ())))
    h2 = jax.lax.dot_general(
        xb, w2_ref[0], (((1,), (1,)), ((), ())))
    a = h1 * jax.lax.logistic(h1) * h2
    ys_ref[...] = jax.lax.dot_general(
        a, w3_ref[0], (((1,), (1,)), ((), ())))


def _moe(bg, xs, w1, w2, w3):
    grid_spec = pltpu.PrefetchScalarGridSpec(
        num_scalar_prefetch=1,
        grid=(_CAP_BLOCKS,),
        in_specs=[
            pl.BlockSpec((_TB, _DIM), lambda i, bg: (i, 0)),
            pl.BlockSpec((1, _HIDDEN, _DIM), lambda i, bg: (bg[i], 0, 0)),
            pl.BlockSpec((1, _HIDDEN, _DIM), lambda i, bg: (bg[i], 0, 0)),
            pl.BlockSpec((1, _DIM, _HIDDEN), lambda i, bg: (bg[i], 0, 0)),
        ],
        out_specs=pl.BlockSpec((_TB, _DIM), lambda i, bg: (i, 0)),
    )
    return pl.pallas_call(
        _moe_body,
        grid_spec=grid_spec,
        out_shape=jax.ShapeDtypeStruct((_CAP, _DIM), jnp.float32),
        compiler_params=pltpu.CompilerParams(
            dimension_semantics=("parallel",),
            vmem_limit_bytes=128 * 1024 * 1024),
    )(bg, xs, w1, w2, w3)


_NC = 2
_NS = 16
_NW = _NC * _NS
_PER_W = _TOKENS // _NW
_CHUNK = 64
_NCH = _PER_W // _CHUNK


def _vector_mesh():
    return plsc.VectorSubcoreMesh(
        core_axis_name="core", subcore_axis_name="subcore")


def _sc_scatter(x, pos1d):
    @pl.kernel(out_type=jax.ShapeDtypeStruct((_CAP, _DIM), jnp.float32),
               mesh=_vector_mesh(),
               scratch_types=[
                   pltpu.VMEM((_PER_W,), jnp.int32),
                   pltpu.VMEM((_CHUNK, _DIM), jnp.float32),
                   pltpu.VMEM((_CHUNK, _DIM), jnp.float32),
                   pltpu.SemaphoreType.DMA,
                   pltpu.SemaphoreType.DMA,
                   pltpu.SemaphoreType.DMA,
                   pltpu.SemaphoreType.DMA,
               ])
    def kern(x_hbm, i_hbm, xs_hbm, idx_v, rows0, rows1,
             sl0, sl1, ss0, ss1):
        wid = (jax.lax.axis_index("core") * _NS
               + jax.lax.axis_index("subcore"))
        base = wid * _PER_W
        bufs, lsems, ssems = [rows0, rows1], [sl0, sl1], [ss0, ss1]

        pltpu.sync_copy(i_hbm.at[pl.ds(base, _PER_W)], idx_v)
        loads = [None] * _NCH
        scats = [None] * _NCH
        loads[0] = pltpu.async_copy(
            x_hbm.at[pl.ds(base, _CHUNK)], bufs[0], lsems[0])
        for j in range(_NCH):
            loads[j].wait()
            scats[j] = pltpu.async_copy(
                bufs[j % 2],
                xs_hbm.at[idx_v.at[pl.ds(j * _CHUNK, _CHUNK)]],
                ssems[j % 2])
            if j + 1 < _NCH:
                if j >= 1:
                    scats[j - 1].wait()
                loads[j + 1] = pltpu.async_copy(
                    x_hbm.at[pl.ds(base + (j + 1) * _CHUNK, _CHUNK)],
                    bufs[(j + 1) % 2], lsems[(j + 1) % 2])
        scats[_NCH - 2].wait()
        scats[_NCH - 1].wait()

    return kern(x, pos1d)


def _sc_gather(ys, pos1d):
    @pl.kernel(out_type=jax.ShapeDtypeStruct((_TOKENS, _DIM), jnp.float32),
               mesh=_vector_mesh(),
               scratch_types=[
                   pltpu.VMEM((_PER_W,), jnp.int32),
                   pltpu.VMEM((_CHUNK, _DIM), jnp.float32),
                   pltpu.VMEM((_CHUNK, _DIM), jnp.float32),
                   pltpu.SemaphoreType.DMA,
                   pltpu.SemaphoreType.DMA,
                   pltpu.SemaphoreType.DMA,
                   pltpu.SemaphoreType.DMA,
               ])
    def kern(y_hbm, i_hbm, o_hbm, idx_v, rows0, rows1,
             sg0, sg1, st0, st1):
        wid = (jax.lax.axis_index("core") * _NS
               + jax.lax.axis_index("subcore"))
        base = wid * _PER_W
        bufs, gsems, ssems = [rows0, rows1], [sg0, sg1], [st0, st1]

        pltpu.sync_copy(i_hbm.at[pl.ds(base, _PER_W)], idx_v)
        gaths = [None] * _NCH
        stores = [None] * _NCH
        gaths[0] = pltpu.async_copy(
            y_hbm.at[idx_v.at[pl.ds(0, _CHUNK)]], bufs[0], gsems[0])
        for j in range(_NCH):
            gaths[j].wait()
            if j + 1 < _NCH:
                if j >= 1:
                    stores[j - 1].wait()
                gaths[j + 1] = pltpu.async_copy(
                    y_hbm.at[idx_v.at[pl.ds((j + 1) * _CHUNK, _CHUNK)]],
                    bufs[(j + 1) % 2], gsems[(j + 1) % 2])
            stores[j] = pltpu.async_copy(
                bufs[j % 2], o_hbm.at[pl.ds(base + j * _CHUNK, _CHUNK)],
                ssems[j % 2])
        stores[_NCH - 2].wait()
        stores[_NCH - 1].wait()

    return kern(ys, pos1d)


def kernel(x, router_w, w1, w2, w3):
    pos, meta, aux = _route(x, router_w)
    pos1d = pos.reshape(_TOKENS)
    bg = meta[0, :_CAP_BLOCKS]
    xs = _sc_scatter(x, pos1d)
    ys = _moe(bg, xs, w1, w2, w3)
    out = _sc_gather(ys, pos1d)
    return out, aux[0, 0]

# --- scband reference (transcript-rebuilt; emitter-appended) ---
"""Pipeline reference for scband-parallel-mo-elayer-12859132084354 (READ-ONLY COPY).

The authoritative reference and input builder live on the scoring server;
editing this copy changes nothing except your own understanding.
"""

import jax, jax.numpy as jnp
import numpy as np

DIM = 768
HIDDEN = 1024
E = 8
TOKENS = 8192
TOP_K = 1
Z_COEF = 0.001
LOAD_COEF = 0.001


def setup_inputs(seed: int = 0) -> dict:
    key = jax.random.key(seed)
    ks = jax.random.split(key, 5)
    x = jax.random.normal(ks[0], (TOKENS, DIM), dtype=jnp.float32)
    s_in = 1.0 / np.sqrt(DIM)
    s_hid = 1.0 / np.sqrt(HIDDEN)
    router_w = jax.random.normal(ks[1], (E, DIM), dtype=jnp.float32) * s_in
    w1 = jax.random.normal(ks[2], (E, HIDDEN, DIM), dtype=jnp.float32) * s_in
    w2 = jax.random.normal(ks[3], (E, HIDDEN, DIM), dtype=jnp.float32) * s_in
    w3 = jax.random.normal(ks[4], (E, DIM, HIDDEN), dtype=jnp.float32) * s_hid
    return {"x": x, "router_w": router_w, "w1": w1, "w2": w2, "w3": w3}


def _logsumexp(logits):
    m = jnp.max(logits, axis=-1, keepdims=True)
    return jnp.squeeze(m, -1) + jnp.log(jnp.sum(jnp.exp(logits - m), axis=-1))


def reference(x, router_w, w1, w2, w3):
    # router (nn.Linear, bias=False): logits = x @ W^T
    router_logits = x @ router_w.T  # [B, E]
    probs = jax.nn.softmax(router_logits, axis=-1)
    topk_probs, topk_indices = jax.lax.top_k(probs, TOP_K)
    flat_x = x.reshape(-1, x.shape[-1])  # [B, D]
    flat_topk_indices = topk_indices.reshape(-1)  # [B * top_k], top_k == 1
    expert_mask = jax.nn.one_hot(flat_topk_indices, E, dtype=jnp.float32)  # [B, E]
    expert_inputs = jnp.einsum('be,bd->ebd', expert_mask, flat_x)  # [E, B, D]

    def expert_fn(xi, w1i, w2i, w3i):
        # SwiGLU: w3(silu(w1(x)) * w2(x)); nn.Linear weights stored [out, in]
        h = jax.nn.silu(xi @ w1i.T) * (xi @ w2i.T)
        return h @ w3i.T

    expert_outputs = jax.vmap(expert_fn)(expert_inputs, w1, w2, w3)  # [E, B, D]
    output = jnp.einsum('ebd,be->bd', expert_outputs, expert_mask).reshape(x.shape)
    # dropout p=0.0 -> identity

    # aux loss
    router_z_loss = jnp.mean(_logsumexp(router_logits)) ** 2
    expert_load = probs.sum(axis=0)
    load_loss = (jnp.std(expert_load, ddof=1) / jnp.mean(expert_load)) ** 2
    aux_loss = Z_COEF * router_z_loss + LOAD_COEF * load_loss
    return (output, aux_loss)

if __name__ == "__main__":
    import jax
    _d = setup_inputs()
    print(jax.jit(kernel)(*tuple(_d.values())))

</pallas_src>

<mosaic_0001>
#map = affine_map<(d0, d1) -> (0, 0)>
#map1 = affine_map<(d0, d1) -> (0)>
module attributes {stable_mosaic.version = 14 : i64} {
  func.func @kern(%arg0: i32, %arg1: i32, %arg2: memref<8192x768xf32, #tpu.memory_space<hbm>>, %arg3: memref<8192xi32, #tpu.memory_space<hbm>>, %arg4: memref<9984x768xf32, #tpu.memory_space<hbm>>, %arg5: memref<256xi32, #tpu.memory_space<vmem>>, %arg6: memref<64x768xf32, #tpu.memory_space<vmem>>, %arg7: memref<64x768xf32, #tpu.memory_space<vmem>>, %arg8: memref<!tpu.dma_semaphore, #tpu.memory_space<semaphore_mem>>, %arg9: memref<!tpu.dma_semaphore, #tpu.memory_space<semaphore_mem>>, %arg10: memref<!tpu.dma_semaphore, #tpu.memory_space<semaphore_mem>>, %arg11: memref<!tpu.dma_semaphore, #tpu.memory_space<semaphore_mem>>) attributes {dimension_semantics = [#tpu.dimension_semantics<core_parallel>, #tpu.dimension_semantics<subcore_parallel>], iteration_bounds = array<i64: 2, 16>, scalar_prefetch = 0 : i64, scratch_operands = 7 : i64, tpu.core_type = #tpu.core_type<sc_vector_subcore>, window_params = [{transform_indices = #map}, {transform_indices = #map1}, {transform_indices = #map}]} {
    %mul3A = arith.constant 16 : i32
    %mul3A_0 = arith.muli %arg0, %mul3A : i32
    %add3A = arith.addi %mul3A_0, %arg1 : i32
    %mul3A_1 = arith.constant 256 : i32
    %mul3A_2 = arith.muli %add3A, %mul3A_1 : i32
    "tpu.region"() ({
      %run_scoped3A = tpu.sem_alloc : memref<!tpu.dma_semaphore, #tpu.memory_space<semaphore_mem>>
      %dma_start3A_79 = tpu.memref_slice %arg3[%mul3A_2] : memref<8192xi32, #tpu.memory_space<hbm>> -> memref<256xi32, #tpu.memory_space<hbm>>
      %dma_start3A_80 = tpu.memref_slice %arg3[%mul3A_2] : memref<8192xi32, #tpu.memory_space<hbm>> -> memref<256xi32, #tpu.memory_space<hbm>>
      tpu.enqueue_dma source(%dma_start3A_80 : memref<256xi32, #tpu.memory_space<hbm>>) target(%arg5 : memref<256xi32, #tpu.memory_space<vmem>>) target_semaphore(%run_scoped3A : memref<!tpu.dma_semaphore, #tpu.memory_space<semaphore_mem>>)
      %dma_wait3A_81 = tpu.memref_slice %arg3[%mul3A_2] : memref<8192xi32, #tpu.memory_space<hbm>> -> memref<256xi32, #tpu.memory_space<hbm>>
      %dma_wait3A_82 = tpu.memref_slice %arg3[%mul3A_2] : memref<8192xi32, #tpu.memory_space<hbm>> -> memref<256xi32, #tpu.memory_space<hbm>>
      tpu.wait_dma2 semaphore(%run_scoped3A : memref<!tpu.dma_semaphore, #tpu.memory_space<semaphore_mem>>) src(%dma_wait3A_82 : memref<256xi32, #tpu.memory_space<hbm>>) dst(%arg5 : memref<256xi32, #tpu.memory_space<vmem>>)
      tpu.yield
    }) : () -> ()
    %dma_start3A = arith.constant 0 : i32
    %dma_start3A_3 = tpu.memref_slice %arg2[%mul3A_2, %dma_start3A] : memref<8192x768xf32, #tpu.memory_space<hbm>> -> memref<64x768xf32, #tpu.memory_space<hbm>>
    %dma_start3A_4 = arith.constant 0 : i32
    %dma_start3A_5 = tpu.memref_slice %arg2[%mul3A_2, %dma_start3A_4] : memref<8192x768xf32, #tpu.memory_space<hbm>> -> memref<64x768xf32, #tpu.memory_space<hbm>>
    tpu.enqueue_dma source(%dma_start3A_5 : memref<64x768xf32, #tpu.memory_space<hbm>>) target(%arg6 : memref<64x768xf32, #tpu.memory_space<vmem>>) target_semaphore(%arg8 : memref<!tpu.dma_semaphore, #tpu.memory_space<semaphore_mem>>)
    %dma_wait3A = arith.constant 0 : i32
    %dma_wait3A_6 = tpu.memref_slice %arg2[%mul3A_2, %dma_wait3A] : memref<8192x768xf32, #tpu.memory_space<hbm>> -> memref<64x768xf32, #tpu.memory_space<hbm>>
    %dma_wait3A_7 = arith.constant 0 : i32
    %dma_wait3A_8 = tpu.memref_slice %arg2[%mul3A_2, %dma_wait3A_7] : memref<8192x768xf32, #tpu.memory_space<hbm>> -> memref<64x768xf32, #tpu.memory_space<hbm>>
    tpu.wait_dma2 semaphore(%arg8 : memref<!tpu.dma_semaphore, #tpu.memory_space<semaphore_mem>>) src(%dma_wait3A_8 : memref<64x768xf32, #tpu.memory_space<hbm>>) dst(%arg6 : memref<64x768xf32, #tpu.memory_space<vmem>>)
    %dma_start3A_9 = arith.constant 0 : i32
    %dma_start3A_10 = tpu.memref_slice %arg5[%dma_start3A_9] : memref<256xi32, #tpu.memory_space<vmem>> -> memref<64xi32, #tpu.memory_space<vmem>>
    %dma_start3A_11 = arith.constant 0 : i32
    %dma_start3A_12 = arith.constant 0 : i32
    %dma_start3A_13 = tpu.memref_slice %arg4[%dma_start3A_11, %dma_start3A_12] : memref<9984x768xf32, #tpu.memory_space<hbm>> -> memref<9984x768xf32, #tpu.memory_space<hbm>>
    tpu.enqueue_indirect_dma source(%arg6 : memref<64x768xf32, #tpu.memory_space<vmem>>) target(%dma_start3A_13 : memref<9984x768xf32, #tpu.memory_space<hbm>>) offsets(%dma_start3A_10 : memref<64xi32, #tpu.memory_space<vmem>>) semaphore(%arg10 : memref<!tpu.dma_semaphore, #tpu.memory_space<semaphore_mem>>)
    %add3A_14 = arith.constant 64 : i32
    %add3A_15 = arith.addi %mul3A_2, %add3A_14 : i32
    %dma_start3A_16 = arith.constant 0 : i32
    %dma_start3A_17 = tpu.memref_slice %arg2[%add3A_15, %dma_start3A_16] : memref<8192x768xf32, #tpu.memory_space<hbm>> -> memref<64x768xf32, #tpu.memory_space<hbm>>
    %dma_start3A_18 = arith.constant 0 : i32
    %dma_start3A_19 = tpu.memref_slice %arg2[%add3A_15, %dma_start3A_18] : memref<8192x768xf32, #tpu.memory_space<hbm>> -> memref<64x768xf32, #tpu.memory_space<hbm>>
    tpu.enqueue_dma source(%dma_start3A_19 : memref<64x768xf32, #tpu.memory_space<hbm>>) target(%arg7 : memref<64x768xf32, #tpu.memory_space<vmem>>) target_semaphore(%arg9 : memref<!tpu.dma_semaphore, #tpu.memory_space<semaphore_mem>>)
    %dma_wait3A_20 = arith.constant 0 : i32
    %dma_wait3A_21 = tpu.memref_slice %arg2[%add3A_15, %dma_wait3A_20] : memref<8192x768xf32, #tpu.memory_space<hbm>> -> memref<64x768xf32, #tpu.memory_space<hbm>>
    %dma_wait3A_22 = arith.constant 0 : i32
    %dma_wait3A_23 = tpu.memref_slice %arg2[%add3A_15, %dma_wait3A_22] : memref<8192x768xf32, #tpu.memory_space<hbm>> -> memref<64x768xf32, #tpu.memory_space<hbm>>
    tpu.wait_dma2 semaphore(%arg9 : memref<!tpu.dma_semaphore, #tpu.memory_space<semaphore_mem>>) src(%dma_wait3A_23 : memref<64x768xf32, #tpu.memory_space<hbm>>) dst(%arg7 : memref<64x768xf32, #tpu.memory_space<vmem>>)
    %dma_start3A_24 = arith.constant 64 : i32
    %dma_start3A_25 = tpu.memref_slice %arg5[%dma_start3A_24] : memref<256xi32, #tpu.memory_space<vmem>> -> memref<64xi32, #tpu.memory_space<vmem>>
    %dma_start3A_26 = arith.constant 0 : i32
    %dma_start3A_27 = arith.constant 0 : i32
    %dma_start3A_28 = tpu.memref_slice %arg4[%dma_start3A_26, %dma_start3A_27] : memref<9984x768xf32, #tpu.memory_space<hbm>> -> memref<9984x768xf32, #tpu.memory_space<hbm>>
    tpu.enqueue_indirect_dma source(%arg7 : memref<64x768xf32, #tpu.memory_space<vmem>>) target(%dma_start3A_28 : memref<9984x768xf32, #tpu.memory_space<hbm>>) offsets(%dma_start3A_25 : memref<64xi32, #tpu.memory_space<vmem>>) semaphore(%arg11 : memref<!tpu.dma_semaphore, #tpu.memory_space<semaphore_mem>>)
    %dma_wait3A_29 = arith.constant 0 : i32
    %dma_wait3A_30 = tpu.memref_slice %arg5[%dma_wait3A_29] : memref<256xi32, #tpu.memory_space<vmem>> -> memref<64xi32, #tpu.memory_space<vmem>>
    %dma_wait3A_31 = arith.constant 0 : i32
    %dma_wait3A_32 = arith.constant 0 : i32
    %dma_wait3A_33 = tpu.memref_slice %arg4[%dma_wait3A_31, %dma_wait3A_32] : memref<9984x768xf32, #tpu.memory_space<hbm>> -> memref<9984x768xf32, #tpu.memory_space<hbm>>
    tpu.wait_indirect_dma semaphore(%arg10 : memref<!tpu.dma_semaphore, #tpu.memory_space<semaphore_mem>>) src(%arg6 : memref<64x768xf32, #tpu.memory_space<vmem>>) dst(%dma_wait3A_33 : memref<9984x768xf32, #tpu.memory_space<hbm>>)
    %add3A_34 = arith.constant 128 : i32
    %add3A_35 = arith.addi %mul3A_2, %add3A_34 : i32
    %dma_start3A_36 = arith.constant 0 : i32
    %dma_start3A_37 = tpu.memref_slice %arg2[%add3A_35, %dma_start3A_36] : memref<8192x768xf32, #tpu.memory_space<hbm>> -> memref<64x768xf32, #tpu.memory_space<hbm>>
    %dma_start3A_38 = arith.constant 0 : i32
    %dma_start3A_39 = tpu.memref_slice %arg2[%add3A_35, %dma_start3A_38] : memref<8192x768xf32, #tpu.memory_space<hbm>> -> memref<64x768xf32, #tpu.memory_space<hbm>>
    tpu.enqueue_dma source(%dma_start3A_39 : memref<64x768xf32, #tpu.memory_space<hbm>>) target(%arg6 : memref<64x768xf32, #tpu.memory_space<vmem>>) target_semaphore(%arg8 : memref<!tpu.dma_semaphore, #tpu.memory_space<semaphore_mem>>)
    %dma_wait3A_40 = arith.constant 0 : i32
    %dma_wait3A_41 = tpu.memref_slice %arg2[%add3A_35, %dma_wait3A_40] : memref<8192x768xf32, #tpu.memory_space<hbm>> -> memref<64x768xf32, #tpu.memory_space<hbm>>
    %dma_wait3A_42 = arith.constant 0 : i32
    %dma_wait3A_43 = tpu.memref_slice %arg2[%add3A_35, %dma_wait3A_42] : memref<8192x768xf32, #tpu.memory_space<hbm>> -> memref<64x768xf32, #tpu.memory_space<hbm>>
    tpu.wait_dma2 semaphore(%arg8 : memref<!tpu.dma_semaphore, #tpu.memory_space<semaphore_mem>>) src(%dma_wait3A_43 : memref<64x768xf32, #tpu.memory_space<hbm>>) dst(%arg6 : memref<64x768xf32, #tpu.memory_space<vmem>>)
    %dma_start3A_44 = arith.constant 128 : i32
    %dma_start3A_45 = tpu.memref_slice %arg5[%dma_start3A_44] : memref<256xi32, #tpu.memory_space<vmem>> -> memref<64xi32, #tpu.memory_space<vmem>>
    %dma_start3A_46 = arith.constant 0 : i32
    %dma_start3A_47 = arith.constant 0 : i32
    %dma_start3A_48 = tpu.memref_slice %arg4[%dma_start3A_46, %dma_start3A_47] : memref<9984x768xf32, #tpu.memory_space<hbm>> -> memref<9984x768xf32, #tpu.memory_space<hbm>>
    tpu.enqueue_indirect_dma source(%arg6 : memref<64x768xf32, #tpu.memory_space<vmem>>) target(%dma_start3A_48 : memref<9984x768xf32, #tpu.memory_space<hbm>>) offsets(%dma_start3A_45 : memref<64xi32, #tpu.memory_space<vmem>>) semaphore(%arg10 : memref<!tpu.dma_semaphore, #tpu.memory_space<semaphore_mem>>)
    %dma_wait3A_49 = arith.constant 64 : i32
    %dma_wait3A_50 = tpu.memref_slice %arg5[%dma_wait3A_49] : memref<256xi32, #tpu.memory_space<vmem>> -> memref<64xi32, #tpu.memory_space<vmem>>
    %dma_wait3A_51 = arith.constant 0 : i32
    %dma_wait3A_52 = arith.constant 0 : i32
    %dma_wait3A_53 = tpu.memref_slice %arg4[%dma_wait3A_51, %dma_wait3A_52] : memref<9984x768xf32, #tpu.memory_space<hbm>> -> memref<9984x768xf32, #tpu.memory_space<hbm>>
    tpu.wait_indirect_dma semaphore(%arg11 : memref<!tpu.dma_semaphore, #tpu.memory_space<semaphore_mem>>) src(%arg7 : memref<64x768xf32, #tpu.memory_space<vmem>>) dst(%dma_wait3A_53 : memref<9984x768xf32, #tpu.memory_space<hbm>>)
    %add3A_54 = arith.constant 192 : i32
    %add3A_55 = arith.addi %mul3A_2, %add3A_54 : i32
    %dma_start3A_56 = arith.constant 0 : i32
    %dma_start3A_57 = tpu.memref_slice %arg2[%add3A_55, %dma_start3A_56] : memref<8192x768xf32, #tpu.memory_space<hbm>> -> memref<64x768xf32, #tpu.memory_space<hbm>>
    %dma_start3A_58 = arith.constant 0 : i32
    %dma_start3A_59 = tpu.memref_slice %arg2[%add3A_55, %dma_start3A_58] : memref<8192x768xf32, #tpu.memory_space<hbm>> -> memref<64x768xf32, #tpu.memory_space<hbm>>
    tpu.enqueue_dma source(%dma_start3A_59 : memref<64x768xf32, #tpu.memory_space<hbm>>) target(%arg7 : memref<64x768xf32, #tpu.memory_space<vmem>>) target_semaphore(%arg9 : memref<!tpu.dma_semaphore, #tpu.memory_space<semaphore_mem>>)
    %dma_wait3A_60 = arith.constant 0 : i32
    %dma_wait3A_61 = tpu.memref_slice %arg2[%add3A_55, %dma_wait3A_60] : memref<8192x768xf32, #tpu.memory_space<hbm>> -> memref<64x768xf32, #tpu.memory_space<hbm>>
    %dma_wait3A_62 = arith.constant 0 : i32
    %dma_wait3A_63 = tpu.memref_slice %arg2[%add3A_55, %dma_wait3A_62] : memref<8192x768xf32, #tpu.memory_space<hbm>> -> memref<64x768xf32, #tpu.memory_space<hbm>>
    tpu.wait_dma2 semaphore(%arg9 : memref<!tpu.dma_semaphore, #tpu.memory_space<semaphore_mem>>) src(%dma_wait3A_63 : memref<64x768xf32, #tpu.memory_space<hbm>>) dst(%arg7 : memref<64x768xf32, #tpu.memory_space<vmem>>)
    %dma_start3A_64 = arith.constant 192 : i32
    %dma_start3A_65 = tpu.memref_slice %arg5[%dma_start3A_64] : memref<256xi32, #tpu.memory_space<vmem>> -> memref<64xi32, #tpu.memory_space<vmem>>
    %dma_start3A_66 = arith.constant 0 : i32
    %dma_start3A_67 = arith.constant 0 : i32
    %dma_start3A_68 = tpu.memref_slice %arg4[%dma_start3A_66, %dma_start3A_67] : memref<9984x768xf32, #tpu.memory_space<hbm>> -> memref<9984x768xf32, #tpu.memory_space<hbm>>
    tpu.enqueue_indirect_dma source(%arg7 : memref<64x768xf32, #tpu.memory_space<vmem>>) target(%dma_start3A_68 : memref<9984x768xf32, #tpu.memory_space<hbm>>) offsets(%dma_start3A_65 : memref<64xi32, #tpu.memory_space<vmem>>) semaphore(%arg11 : memref<!tpu.dma_semaphore, #tpu.memory_space<semaphore_mem>>)
    %dma_wait3A_69 = arith.constant 128 : i32
    %dma_wait3A_70 = tpu.memref_slice %arg5[%dma_wait3A_69] : memref<256xi32, #tpu.memory_space<vmem>> -> memref<64xi32, #tpu.memory_space<vmem>>
    %dma_wait3A_71 = arith.constant 0 : i32
    %dma_wait3A_72 = arith.constant 0 : i32
    %dma_wait3A_73 = tpu.memref_slice %arg4[%dma_wait3A_71, %dma_wait3A_72] : memref<9984x768xf32, #tpu.memory_space<hbm>> -> memref<9984x768xf32, #tpu.memory_space<hbm>>
    tpu.wait_indirect_dma semaphore(%arg10 : memref<!tpu.dma_semaphore, #tpu.memory_space<semaphore_mem>>) src(%arg6 : memref<64x768xf32, #tpu.memory_space<vmem>>) dst(%dma_wait3A_73 : memref<9984x768xf32, #tpu.memory_space<hbm>>)
    %dma_wait3A_74 = arith.constant 192 : i32
    %dma_wait3A_75 = tpu.memref_slice %arg5[%dma_wait3A_74] : memref<256xi32, #tpu.memory_space<vmem>> -> memref<64xi32, #tpu.memory_space<vmem>>
    %dma_wait3A_76 = arith.constant 0 : i32
    %dma_wait3A_77 = arith.constant 0 : i32
    %dma_wait3A_78 = tpu.memref_slice %arg4[%dma_wait3A_76, %dma_wait3A_77] : memref<9984x768xf32, #tpu.memory_space<hbm>> -> memref<9984x768xf32, #tpu.memory_space<hbm>>
    tpu.wait_indirect_dma semaphore(%arg11 : memref<!tpu.dma_semaphore, #tpu.memory_space<semaphore_mem>>) src(%arg7 : memref<64x768xf32, #tpu.memory_space<vmem>>) dst(%dma_wait3A_78 : memref<9984x768xf32, #tpu.memory_space<hbm>>)
    return
  }
}

#map = affine_map<(d0, d1) -> (0, 0)>
#map1 = affine_map<(d0, d1) -> (0)>
module attributes {stable_mosaic.version = 14 : i64} {
  func.func @kern(%arg0: i32, %arg1: i32, %arg2: memref<9984x768xf32, #tpu.memory_space<hbm>>, %arg3: memref<8192xi32, #tpu.memory_space<hbm>>, %arg4: memref<8192x768xf32, #tpu.memory_space<hbm>>, %arg5: memref<256xi32, #tpu.memory_space<vmem>>, %arg6: memref<64x768xf32, #tpu.memory_space<vmem>>, %arg7: memref<64x768xf32, #tpu.memory_space<vmem>>, %arg8: memref<!tpu.dma_semaphore, #tpu.memory_space<semaphore_mem>>, %arg9: memref<!tpu.dma_semaphore, #tpu.memory_space<semaphore_mem>>, %arg10: memref<!tpu.dma_semaphore, #tpu.memory_space<semaphore_mem>>, %arg11: memref<!tpu.dma_semaphore, #tpu.memory_space<semaphore_mem>>) attributes {dimension_semantics = [#tpu.dimension_semantics<core_parallel>, #tpu.dimension_semantics<subcore_parallel>], iteration_bounds = array<i64: 2, 16>, scalar_prefetch = 0 : i64, scratch_operands = 7 : i64, tpu.core_type = #tpu.core_type<sc_vector_subcore>, window_params = [{transform_indices = #map}, {transform_indices = #map1}, {transform_indices = #map}]} {
    %mul3A = arith.constant 16 : i32
    %mul3A_0 = arith.muli %arg0, %mul3A : i32
    %add3A = arith.addi %mul3A_0, %arg1 : i32
    %mul3A_1 = arith.constant 256 : i32
    %mul3A_2 = arith.muli %add3A, %mul3A_1 : i32
    "tpu.region"() ({
      %run_scoped3A = tpu.sem_alloc : memref<!tpu.dma_semaphore, #tpu.memory_space<semaphore_mem>>
      %dma_start3A_81 = tpu.memref_slice %arg3[%mul3A_2] : memref<8192xi32, #tpu.memory_space<hbm>> -> memref<256xi32, #tpu.memory_space<hbm>>
      %dma_start3A_82 = tpu.memref_slice %arg3[%mul3A_2] : memref<8192xi32, #tpu.memory_space<hbm>> -> memref<256xi32, #tpu.memory_space<hbm>>
      tpu.enqueue_dma source(%dma_start3A_82 : memref<256xi32, #tpu.memory_space<hbm>>) target(%arg5 : memref<256xi32, #tpu.memory_space<vmem>>) target_semaphore(%run_scoped3A : memref<!tpu.dma_semaphore, #tpu.memory_space<semaphore_mem>>)
      %dma_wait3A_83 = tpu.memref_slice %arg3[%mul3A_2] : memref<8192xi32, #tpu.memory_space<hbm>> -> memref<256xi32, #tpu.memory_space<hbm>>
      %dma_wait3A_84 = tpu.memref_slice %arg3[%mul3A_2] : memref<8192xi32, #tpu.memory_space<hbm>> -> memref<256xi32, #tpu.memory_space<hbm>>
      tpu.wait_dma2 semaphore(%run_scoped3A : memref<!tpu.dma_semaphore, #tpu.memory_space<semaphore_mem>>) src(%dma_wait3A_84 : memref<256xi32, #tpu.memory_space<hbm>>) dst(%arg5 : memref<256xi32, #tpu.memory_space<vmem>>)
      tpu.yield
    }) : () -> ()
    %dma_start3A = arith.constant 0 : i32
    %dma_start3A_3 = tpu.memref_slice %arg5[%dma_start3A] : memref<256xi32, #tpu.memory_space<vmem>> -> memref<64xi32, #tpu.memory_space<vmem>>
    %dma_start3A_4 = arith.constant 0 : i32
    %dma_start3A_5 = arith.constant 0 : i32
    %dma_start3A_6 = tpu.memref_slice %arg2[%dma_start3A_4, %dma_start3A_5] : memref<9984x768xf32, #tpu.memory_space<hbm>> -> memref<9984x768xf32, #tpu.memory_space<hbm>>
    tpu.enqueue_indirect_dma source(%dma_start3A_6 : memref<9984x768xf32, #tpu.memory_space<hbm>>) target(%arg6 : memref<64x768xf32, #tpu.memory_space<vmem>>) offsets(%dma_start3A_3 : memref<64xi32, #tpu.memory_space<vmem>>) semaphore(%arg8 : memref<!tpu.dma_semaphore, #tpu.memory_space<semaphore_mem>>)
    %dma_wait3A = arith.constant 0 : i32
    %dma_wait3A_7 = tpu.memref_slice %arg5[%dma_wait3A] : memref<256xi32, #tpu.memory_space<vmem>> -> memref<64xi32, #tpu.memory_space<vmem>>
    %dma_wait3A_8 = arith.constant 0 : i32
    %dma_wait3A_9 = arith.constant 0 : i32
    %dma_wait3A_10 = tpu.memref_slice %arg2[%dma_wait3A_8, %dma_wait3A_9] : memref<9984x768xf32, #tpu.memory_space<hbm>> -> memref<9984x768xf32, #tpu.memory_space<hbm>>
    tpu.wait_indirect_dma semaphore(%arg8 : memref<!tpu.dma_semaphore, #tpu.memory_space<semaphore_mem>>) src(%dma_wait3A_10 : memref<9984x768xf32, #tpu.memory_space<hbm>>) dst(%arg6 : memref<64x768xf32, #tpu.memory_space<vmem>>)
    %dma_start3A_11 = arith.constant 64 : i32
    %dma_start3A_12 = tpu.memref_slice %arg5[%dma_start3A_11] : memref<256xi32, #tpu.memory_space<vmem>> -> memref<64xi32, #tpu.memory_space<vmem>>
    %dma_start3A_13 = arith.constant 0 : i32
    %dma_start3A_14 = arith.constant 0 : i32
    %dma_start3A_15 = tpu.memref_slice %arg2[%dma_start3A_13, %dma_start3A_14] : memref<9984x768xf32, #tpu.memory_space<hbm>> -> memref<9984x768xf32, #tpu.memory_space<hbm>>
    tpu.enqueue_indirect_dma source(%dma_start3A_15 : memref<9984x768xf32, #tpu.memory_space<hbm>>) target(%arg7 : memref<64x768xf32, #tpu.memory_space<vmem>>) offsets(%dma_start3A_12 : memref<64xi32, #tpu.memory_space<vmem>>) semaphore(%arg9 : memref<!tpu.dma_semaphore, #tpu.memory_space<semaphore_mem>>)
    %add3A_16 = arith.constant 0 : i32
    %add3A_17 = arith.addi %mul3A_2, %add3A_16 : i32
    %dma_start3A_18 = arith.constant 0 : i32
    %dma_start3A_19 = tpu.memref_slice %arg4[%add3A_17, %dma_start3A_18] : memref<8192x768xf32, #tpu.memory_space<hbm>> -> memref<64x768xf32, #tpu.memory_space<hbm>>
    %dma_start3A_20 = arith.constant 0 : i32
    %dma_start3A_21 = tpu.memref_slice %arg4[%add3A_17, %dma_start3A_20] : memref<8192x768xf32, #tpu.memory_space<hbm>> -> memref<64x768xf32, #tpu.memory_space<hbm>>
    tpu.enqueue_dma source(%arg6 : memref<64x768xf32, #tpu.memory_space<vmem>>) target(%dma_start3A_21 : memref<64x768xf32, #tpu.memory_space<hbm>>) target_semaphore(%arg10 : memref<!tpu.dma_semaphore, #tpu.memory_space<semaphore_mem>>)
    %dma_wait3A_22 = arith.constant 64 : i32
    %dma_wait3A_23 = tpu.memref_slice %arg5[%dma_wait3A_22] : memref<256xi32, #tpu.memory_space<vmem>> -> memref<64xi32, #tpu.memory_space<vmem>>
    %dma_wait3A_24 = arith.constant 0 : i32
    %dma_wait3A_25 = arith.constant 0 : i32
    %dma_wait3A_26 = tpu.memref_slice %arg2[%dma_wait3A_24, %dma_wait3A_25] : memref<9984x768xf32, #tpu.memory_space<hbm>> -> memref<9984x768xf32, #tpu.memory_space<hbm>>
    tpu.wait_indirect_dma semaphore(%arg9 : memref<!tpu.dma_semaphore, #tpu.memory_space<semaphore_mem>>) src(%dma_wait3A_26 : memref<9984x768xf32, #tpu.memory_space<hbm>>) dst(%arg7 : memref<64x768xf32, #tpu.memory_space<vmem>>)
    %dma_wait3A_27 = arith.constant 0 : i32
    %dma_wait3A_28 = tpu.memref_slice %arg4[%add3A_17, %dma_wait3A_27] : memref<8192x768xf32, #tpu.memory_space<hbm>> -> memref<64x768xf32, #tpu.memory_space<hbm>>
    %dma_wait3A_29 = arith.constant 0 : i32
    %dma_wait3A_30 = tpu.memref_slice %arg4[%add3A_17, %dma_wait3A_29] : memref<8192x768xf32, #tpu.memory_space<hbm>> -> memref<64x768xf32, #tpu.memory_space<hbm>>
    tpu.wait_dma2 semaphore(%arg10 : memref<!tpu.dma_semaphore, #tpu.memory_space<semaphore_mem>>) src(%arg6 : memref<64x768xf32, #tpu.memory_space<vmem>>) dst(%dma_wait3A_30 : memref<64x768xf32, #tpu.memory_space<hbm>>)
    %dma_start3A_31 = arith.constant 128 : i32
    %dma_start3A_32 = tpu.memref_slice %arg5[%dma_start3A_31] : memref<256xi32, #tpu.memory_space<vmem>> -> memref<64xi32, #tpu.memory_space<vmem>>
    %dma_start3A_33 = arith.constant 0 : i32
    %dma_start3A_34 = arith.constant 0 : i32
    %dma_start3A_35 = tpu.memref_slice %arg2[%dma_start3A_33, %dma_start3A_34] : memref<9984x768xf32, #tpu.memory_space<hbm>> -> memref<9984x768xf32, #tpu.memory_space<hbm>>
    tpu.enqueue_indirect_dma source(%dma_start3A_35 : memref<9984x768xf32, #tpu.memory_space<hbm>>) target(%arg6 : memref<64x768xf32, #tpu.memory_space<vmem>>) offsets(%dma_start3A_32 : memref<64xi32, #tpu.memory_space<vmem>>) semaphore(%arg8 : memref<!tpu.dma_semaphore, #tpu.memory_space<semaphore_mem>>)
    %add3A_36 = arith.constant 64 : i32
    %add3A_37 = arith.addi %mul3A_2, %add3A_36 : i32
    %dma_start3A_38 = arith.constant 0 : i32
    %dma_start3A_39 = tpu.memref_slice %arg4[%add3A_37, %dma_start3A_38] : memref<8192x768xf32, #tpu.memory_space<hbm>> -> memref<64x768xf32, #tpu.memory_space<hbm>>
    %dma_start3A_40 = arith.constant 0 : i32
    %dma_start3A_41 = tpu.memref_slice %arg4[%add3A_37, %dma_start3A_40] : memref<8192x768xf32, #tpu.memory_space<hbm>> -> memref<64x768xf32, #tpu.memory_space<hbm>>
    tpu.enqueue_dma source(%arg7 : memref<64x768xf32, #tpu.memory_space<vmem>>) target(%dma_start3A_41 : memref<64x768xf32, #tpu.memory_space<hbm>>) target_semaphore(%arg11 : memref<!tpu.dma_semaphore, #tpu.memory_space<semaphore_mem>>)
    %dma_wait3A_42 = arith.constant 128 : i32
    %dma_wait3A_43 = tpu.memref_slice %arg5[%dma_wait3A_42] : memref<256xi32, #tpu.memory_space<vmem>> -> memref<64xi32, #tpu.memory_space<vmem>>
    %dma_wait3A_44 = arith.constant 0 : i32
    %dma_wait3A_45 = arith.constant 0 : i32
    %dma_wait3A_46 = tpu.memref_slice %arg2[%dma_wait3A_44, %dma_wait3A_45] : memref<9984x768xf32, #tpu.memory_space<hbm>> -> memref<9984x768xf32, #tpu.memory_space<hbm>>
    tpu.wait_indirect_dma semaphore(%arg8 : memref<!tpu.dma_semaphore, #tpu.memory_space<semaphore_mem>>) src(%dma_wait3A_46 : memref<9984x768xf32, #tpu.memory_space<hbm>>) dst(%arg6 : memref<64x768xf32, #tpu.memory_space<vmem>>)
    %dma_wait3A_47 = arith.constant 0 : i32
    %dma_wait3A_48 = tpu.memref_slice %arg4[%add3A_37, %dma_wait3A_47] : memref<8192x768xf32, #tpu.memory_space<hbm>> -> memref<64x768xf32, #tpu.memory_space<hbm>>
    %dma_wait3A_49 = arith.constant 0 : i32
    %dma_wait3A_50 = tpu.memref_slice %arg4[%add3A_37, %dma_wait3A_49] : memref<8192x768xf32, #tpu.memory_space<hbm>> -> memref<64x768xf32, #tpu.memory_space<hbm>>
    tpu.wait_dma2 semaphore(%arg11 : memref<!tpu.dma_semaphore, #tpu.memory_space<semaphore_mem>>) src(%arg7 : memref<64x768xf32, #tpu.memory_space<vmem>>) dst(%dma_wait3A_50 : memref<64x768xf32, #tpu.memory_space<hbm>>)
    %dma_start3A_51 = arith.constant 192 : i32
    %dma_start3A_52 = tpu.memref_slice %arg5[%dma_start3A_51] : memref<256xi32, #tpu.memory_space<vmem>> -> memref<64xi32, #tpu.memory_space<vmem>>
    %dma_start3A_53 = arith.constant 0 : i32
    %dma_start3A_54 = arith.constant 0 : i32
    %dma_start3A_55 = tpu.memref_slice %arg2[%dma_start3A_53, %dma_start3A_54] : memref<9984x768xf32, #tpu.memory_space<hbm>> -> memref<9984x768xf32, #tpu.memory_space<hbm>>
    tpu.enqueue_indirect_dma source(%dma_start3A_55 : memref<9984x768xf32, #tpu.memory_space<hbm>>) target(%arg7 : memref<64x768xf32, #tpu.memory_space<vmem>>) offsets(%dma_start3A_52 : memref<64xi32, #tpu.memory_space<vmem>>) semaphore(%arg9 : memref<!tpu.dma_semaphore, #tpu.memory_space<semaphore_mem>>)
    %add3A_56 = arith.constant 128 : i32
    %add3A_57 = arith.addi %mul3A_2, %add3A_56 : i32
    %dma_start3A_58 = arith.constant 0 : i32
    %dma_start3A_59 = tpu.memref_slice %arg4[%add3A_57, %dma_start3A_58] : memref<8192x768xf32, #tpu.memory_space<hbm>> -> memref<64x768xf32, #tpu.memory_space<hbm>>
    %dma_start3A_60 = arith.constant 0 : i32
    %dma_start3A_61 = tpu.memref_slice %arg4[%add3A_57, %dma_start3A_60] : memref<8192x768xf32, #tpu.memory_space<hbm>> -> memref<64x768xf32, #tpu.memory_space<hbm>>
    tpu.enqueue_dma source(%arg6 : memref<64x768xf32, #tpu.memory_space<vmem>>) target(%dma_start3A_61 : memref<64x768xf32, #tpu.memory_space<hbm>>) target_semaphore(%arg10 : memref<!tpu.dma_semaphore, #tpu.memory_space<semaphore_mem>>)
    %dma_wait3A_62 = arith.constant 192 : i32
    %dma_wait3A_63 = tpu.memref_slice %arg5[%dma_wait3A_62] : memref<256xi32, #tpu.memory_space<vmem>> -> memref<64xi32, #tpu.memory_space<vmem>>
    %dma_wait3A_64 = arith.constant 0 : i32
    %dma_wait3A_65 = arith.constant 0 : i32
    %dma_wait3A_66 = tpu.memref_slice %arg2[%dma_wait3A_64, %dma_wait3A_65] : memref<9984x768xf32, #tpu.memory_space<hbm>> -> memref<9984x768xf32, #tpu.memory_space<hbm>>
    tpu.wait_indirect_dma semaphore(%arg9 : memref<!tpu.dma_semaphore, #tpu.memory_space<semaphore_mem>>) src(%dma_wait3A_66 : memref<9984x768xf32, #tpu.memory_space<hbm>>) dst(%arg7 : memref<64x768xf32, #tpu.memory_space<vmem>>)
    %add3A_67 = arith.constant 192 : i32
    %add3A_68 = arith.addi %mul3A_2, %add3A_67 : i32
    %dma_start3A_69 = arith.constant 0 : i32
    %dma_start3A_70 = tpu.memref_slice %arg4[%add3A_68, %dma_start3A_69] : memref<8192x768xf32, #tpu.memory_space<hbm>> -> memref<64x768xf32, #tpu.memory_space<hbm>>
    %dma_start3A_71 = arith.constant 0 : i32
    %dma_start3A_72 = tpu.memref_slice %arg4[%add3A_68, %dma_start3A_71] : memref<8192x768xf32, #tpu.memory_space<hbm>> -> memref<64x768xf32, #tpu.memory_space<hbm>>
    tpu.enqueue_dma source(%arg7 : memref<64x768xf32, #tpu.memory_space<vmem>>) target(%dma_start3A_72 : memref<64x768xf32, #tpu.memory_space<hbm>>) target_semaphore(%arg11 : memref<!tpu.dma_semaphore, #tpu.memory_space<semaphore_mem>>)
    %dma_wait3A_73 = arith.constant 0 : i32
    %dma_wait3A_74 = tpu.memref_slice %arg4[%add3A_57, %dma_wait3A_73] : memref<8192x768xf32, #tpu.memory_space<hbm>> -> memref<64x768xf32, #tpu.memory_space<hbm>>
    %dma_wait3A_75 = arith.constant 0 : i32
    %dma_wait3A_76 = tpu.memref_slice %arg4[%add3A_57, %dma_wait3A_75] : memref<8192x768xf32, #tpu.memory_space<hbm>> -> memref<64x768xf32, #tpu.memory_space<hbm>>
    tpu.wait_dma2 semaphore(%arg10 : memref<!tpu.dma_semaphore, #tpu.memory_space<semaphore_mem>>) src(%arg6 : memref<64x768xf32, #tpu.memory_space<vmem>>) dst(%dma_wait3A_76 : memref<64x768xf32, #tpu.memory_space<hbm>>)
    %dma_wait3A_77 = arith.constant 0 : i32
    %dma_wait3A_78 = tpu.memref_slice %arg4[%add3A_68, %dma_wait3A_77] : memref<8192x768xf32, #tpu.memory_space<hbm>> -> memref<64x768xf32, #tpu.memory_space<hbm>>
    %dma_wait3A_79 = arith.constant 0 : i32
    %dma_wait3A_80 = tpu.memref_slice %arg4[%add3A_68, %dma_wait3A_79] : memref<8192x768xf32, #tpu.memory_space<hbm>> -> memref<64x768xf32, #tpu.memory_space<hbm>>
    tpu.wait_dma2 semaphore(%arg11 : memref<!tpu.dma_semaphore, #tpu.memory_space<semaphore_mem>>) src(%arg7 : memref<64x768xf32, #tpu.memory_space<vmem>>) dst(%dma_wait3A_80 : memref<64x768xf32, #tpu.memory_space<hbm>>)
    return
  }
}

module attributes {stable_mosaic.version = 14 : i64} {
  func.func @_moe_body(%arg0: i32, %arg1: memref<39xi32, #tpu.memory_space<smem>>, %arg2: memref<256x768xf32, #tpu.memory_space<vmem>>, %arg3: memref<1x1024x768xf32, #tpu.memory_space<vmem>>, %arg4: memref<1x1024x768xf32, #tpu.memory_space<vmem>>, %arg5: memref<1x768x1024xf32, #tpu.memory_space<vmem>>, %arg6: memref<256x768xf32, #tpu.memory_space<vmem>>) attributes {dimension_semantics = [#tpu.dimension_semantics<parallel>], iteration_bounds = array<i64: 39>, scalar_prefetch = 1 : i64, scratch_operands = 0 : i64, tpu.core_type = #tpu.core_type<tc>, window_params = [{transform_indices = @transform_0, window_bounds = array<i64: 256, 768>}, {transform_indices = @transform_1, window_bounds = array<i64: 1, 1024, 768>}, {transform_indices = @transform_2, window_bounds = array<i64: 1, 1024, 768>}, {transform_indices = @transform_3, window_bounds = array<i64: 1, 768, 1024>}, {transform_indices = @transform_4, window_bounds = array<i64: 256, 768>}]} {
    %get3A = arith.constant 0 : index
    %get3A_0 = arith.constant 0 : index
    %get3A_1 = vector.load %arg2[%get3A, %get3A_0] : memref<256x768xf32, #tpu.memory_space<vmem>>, vector<256x768xf32>
    %get3A_2 = arith.constant 0 : index
    %get3A_3 = arith.constant 0 : index
    %get3A_4 = arith.constant 0 : index
    %get3A_5 = vector.load %arg3[%get3A_2, %get3A_3, %get3A_4] : memref<1x1024x768xf32, #tpu.memory_space<vmem>>, vector<1x1024x768xf32>
    %get3A_6 = vector.shape_cast %get3A_5 : vector<1x1024x768xf32> to vector<1024x768xf32>
    %dot_general3A = arith.constant dense<0.000000e+00> : vector<256x1024xf32>
    %dot_general3A_7 = tpu.matmul %get3A_1, %get3A_6, %dot_general3A {dimension_numbers = #tpu.dot_dimension_numbers<[1], [1], [0], [0], [0, 0, 1, 0], [], []>, transpose_lhs_hint = false} : vector<256x768xf32>, vector<1024x768xf32>, vector<256x1024xf32> -> vector<256x1024xf32>
    %get3A_8 = arith.constant 0 : index
    %get3A_9 = arith.constant 0 : index
    %get3A_10 = arith.constant 0 : index
    %get3A_11 = vector.load %arg4[%get3A_8, %get3A_9, %get3A_10] : memref<1x1024x768xf32, #tpu.memory_space<vmem>>, vector<1x1024x768xf32>
    %get3A_12 = vector.shape_cast %get3A_11 : vector<1x1024x768xf32> to vector<1024x768xf32>
    %dot_general3A_13 = arith.constant dense<0.000000e+00> : vector<256x1024xf32>
    %dot_general3A_14 = tpu.matmul %get3A_1, %get3A_12, %dot_general3A_13 {dimension_numbers = #tpu.dot_dimension_numbers<[1], [1], [0], [0], [0, 0, 1, 0], [], []>, transpose_lhs_hint = false} : vector<256x768xf32>, vector<1024x768xf32>, vector<256x1024xf32> -> vector<256x1024xf32>
    %logistic3A = arith.negf %dot_general3A_7 : vector<256x1024xf32>
    %logistic3A_15 = math.exp %logistic3A : vector<256x1024xf32>
    %logistic3A_16 = arith.constant 1.000000e+00 : f32
    %logistic3A_17 = vector.broadcast %logistic3A_16 : f32 to vector<256x1024xf32>
    %logistic3A_18 = arith.addf %logistic3A_17, %logistic3A_15 : vector<256x1024xf32>
    %logistic3A_19 = arith.divf %logistic3A_17, %logistic3A_18 : vector<256x1024xf32>
    %mul3A = arith.mulf %dot_general3A_7, %logistic3A_19 : vector<256x1024xf32>
    %mul3A_20 = arith.mulf %mul3A, %dot_general3A_14 : vector<256x1024xf32>
    %get3A_21 = arith.constant 0 : index
    %get3A_22 = arith.constant 0 : index
    %get3A_23 = arith.constant 0 : index
    %get3A_24 = vector.load %arg5[%get3A_21, %get3A_22, %get3A_23] : memref<1x768x1024xf32, #tpu.memory_space<vmem>>, vector<1x768x1024xf32>
    %get3A_25 = vector.shape_cast %get3A_24 : vector<1x768x1024xf32> to vector<768x1024xf32>
    %dot_general3A_26 = arith.constant dense<0.000000e+00> : vector<256x768xf32>
    %dot_general3A_27 = tpu.matmul %mul3A_20, %get3A_25, %dot_general3A_26 {dimension_numbers = #tpu.dot_dimension_numbers<[1], [1], [0], [0], [0, 0, 1, 0], [], []>, transpose_lhs_hint = false} : vector<256x1024xf32>, vector<768x1024xf32>, vector<256x768xf32> -> vector<256x768xf32>
    %swap3A = arith.constant 0 : index
    %swap3A_28 = arith.constant 0 : index
    %swap3A_29 = vector.load %arg6[%swap3A, %swap3A_28] : memref<256x768xf32, #tpu.memory_space<vmem>>, vector<256x768xf32>
    tpu.vector_store %arg6[%swap3A, %swap3A_28], %dot_general3A_27 {strides = array<i32>} : memref<256x768xf32, #tpu.memory_space<vmem>>, vector<256x768xf32>,
    return
  }
  func.func @transform_0(%arg0: i32, %arg1: memref<39xi32, #tpu.memory_space<smem>>) -> (i32, i32) {
    %c0_i32 = arith.constant 0 : i32
    %c0_i32_0 = arith.constant 0 : i32
    return %arg0, %c0_i32 : i32, i32
  }
  func.func @transform_1(%arg0: i32, %arg1: memref<39xi32, #tpu.memory_space<smem>>) -> (i32, i32, i32) {
    %get3A = arith.index_cast %arg0 : i32 to index
    %get3A_0 = memref.load %arg1[%get3A] : memref<39xi32, #tpu.memory_space<smem>>
    %c0_i32 = arith.constant 0 : i32
    %c0_i32_1 = arith.constant 0 : i32
    %c0_i32_2 = arith.constant 0 : i32
    return %get3A_0, %c0_i32, %c0_i32_1 : i32, i32, i32
  }
  func.func @transform_2(%arg0: i32, %arg1: memref<39xi32, #tpu.memory_space<smem>>) -> (i32, i32, i32) {
    %get3A = arith.index_cast %arg0 : i32 to index
    %get3A_0 = memref.load %arg1[%get3A] : memref<39xi32, #tpu.memory_space<smem>>
    %c0_i32 = arith.constant 0 : i32
    %c0_i32_1 = arith.constant 0 : i32
    %c0_i32_2 = arith.constant 0 : i32
    return %get3A_0, %c0_i32, %c0_i32_1 : i32, i32, i32
  }
  func.func @transform_3(%arg0: i32, %arg1: memref<39xi32, #tpu.memory_space<smem>>) -> (i32, i32, i32) {
    %get3A = arith.index_cast %arg0 : i32 to index
    %get3A_0 = memref.load %arg1[%get3A] : memref<39xi32, #tpu.memory_space<smem>>
    %c0_i32 = arith.constant 0 : i32
    %c0_i32_1 = arith.constant 0 : i32
    %c0_i32_2 = arith.constant 0 : i32
    return %get3A_0, %c0_i32, %c0_i32_1 : i32, i32, i32
  }
  func.func @transform_4(%arg0: i32, %arg1: memref<39xi32, #tpu.memory_space<smem>>) -> (i32, i32) {
    %c0_i32 = arith.constant 0 : i32
    %c0_i32_0 = arith.constant 0 : i32
    return %arg0, %c0_i32 : i32, i32
  }
}

module attributes {stable_mosaic.version = 14 : i64} {
  func.func @_route_body(%arg0: i32, %arg1: memref<1024x768xf32, #tpu.memory_space<vmem>>, %arg2: memref<8x768xf32, #tpu.memory_space<vmem>>, %arg3: memref<8x1024xi32, #tpu.memory_space<vmem>>, %arg4: memref<8x128xi32, #tpu.memory_space<vmem>>, %arg5: memref<1x1xf32, #tpu.memory_space<vmem>>, %arg6: memref<8x1024xi32, #tpu.memory_space<vmem>>, %arg7: memref<8x1024xf32, #tpu.memory_space<vmem>>, %arg8: memref<8x1xf32, #tpu.memory_space<vmem>>, %arg9: memref<1x1024xf32, #tpu.memory_space<vmem>>, %arg10: memref<8x1024xf32, #tpu.memory_space<vmem>>) attributes {dimension_semantics = [#tpu.dimension_semantics<arbitrary>], iteration_bounds = array<i64: 9>, scalar_prefetch = 0 : i64, scratch_operands = 5 : i64, tpu.core_type = #tpu.core_type<tc>, window_params = [{transform_indices = @transform_0, window_bounds = array<i64: 1024, 768>}, {pipeline_mode = #tpu.pipeline_mode<synchronous>, transform_indices = @transform_1, window_bounds = array<i64: 8, 768>}, {pipeline_mode = #tpu.pipeline_mode<synchronous>, transform_indices = @transform_2, window_bounds = array<i64: 8, 1024>}, {pipeline_mode = #tpu.pipeline_mode<synchronous>, transform_indices = @transform_3, window_bounds = array<i64: 8, 128>}, {pipeline_mode = #tpu.pipeline_mode<synchronous>, transform_indices = @transform_4, window_bounds = array<i64: 1, 1>}]} {
    %eq3A = arith.constant 0 : i32
    %eq3A_0 = arith.cmpi eq, %arg0, %eq3A : i32
    %convert_element_type3A = arith.extui %eq3A_0 : i1 to i32
    %cond3A = arith.constant 0 : i32
    %cond3A_1 = arith.cmpi ne, %convert_element_type3A, %cond3A : i32
    scf.if %cond3A_1 {
      %broadcast_in_dim3A = arith.constant 0.000000e+00 : f32
      %broadcast_in_dim3A_11 = vector.broadcast %broadcast_in_dim3A : f32 to vector<8x1xf32>
      %swap3A = arith.constant 0 : index
      %swap3A_12 = arith.constant 0 : index
      %swap3A_13 = vector.load %arg8[%swap3A, %swap3A_12] : memref<8x1xf32, #tpu.memory_space<vmem>>, vector<8x1xf32>
      tpu.vector_store %arg8[%swap3A, %swap3A_12], %broadcast_in_dim3A_11 {strides = array<i32>} : memref<8x1xf32, #tpu.memory_space<vmem>>, vector<8x1xf32>,
      %broadcast_in_dim3A_14 = arith.constant 0.000000e+00 : f32
      %broadcast_in_dim3A_15 = vector.broadcast %broadcast_in_dim3A_14 : f32 to vector<1x1024xf32>
      %swap3A_16 = arith.constant 0 : index
      %swap3A_17 = arith.constant 0 : index
      %swap3A_18 = vector.load %arg9[%swap3A_16, %swap3A_17] : memref<1x1024xf32, #tpu.memory_space<vmem>>, vector<1x1024xf32>
      tpu.vector_store %arg9[%swap3A_16, %swap3A_17], %broadcast_in_dim3A_15 {strides = array<i32>} : memref<1x1024xf32, #tpu.memory_space<vmem>>, vector<1x1024xf32>,
      %broadcast_in_dim3A_19 = arith.constant 0.000000e+00 : f32
      %broadcast_in_dim3A_20 = vector.broadcast %broadcast_in_dim3A_19 : f32 to vector<8x1024xf32>
      %swap3A_21 = arith.constant 0 : index
      %swap3A_22 = arith.constant 0 : index
      %swap3A_23 = vector.load %arg10[%swap3A_21, %swap3A_22] : memref<8x1024xf32, #tpu.memory_space<vmem>>, vector<8x1024xf32>
      tpu.vector_store %arg10[%swap3A_21, %swap3A_22], %broadcast_in_dim3A_20 {strides = array<i32>} : memref<8x1024xf32, #tpu.memory_space<vmem>>, vector<8x1024xf32>,
    } else {
    }
    %lt3A = arith.constant 8 : i32
    %lt3A_2 = arith.cmpi slt, %arg0, %lt3A : i32
    %convert_element_type3A_3 = arith.extui %lt3A_2 : i1 to i32
    %cond3A_4 = arith.constant 0 : i32
    %cond3A_5 = arith.cmpi ne, %convert_element_type3A_3, %cond3A_4 : i32
    scf.if %cond3A_5 {
      %get3A = arith.constant 0 : index
      %get3A_11 = arith.constant 0 : index
      %get3A_12 = vector.load %arg1[%get3A, %get3A_11] : memref<1024x768xf32, #tpu.memory_space<vmem>>, vector<1024x768xf32>
      %get3A_13 = arith.constant 0 : index
      %get3A_14 = arith.constant 0 : index
      %get3A_15 = vector.load %arg2[%get3A_13, %get3A_14] : memref<8x768xf32, #tpu.memory_space<vmem>>, vector<8x768xf32>
      %dot_general3A = arith.constant dense<0.000000e+00> : vector<8x1024xf32>
      %dot_general3A_16 = tpu.matmul %get3A_15, %get3A_12, %dot_general3A {dimension_numbers = #tpu.dot_dimension_numbers<[1], [1], [0], [0], [0, 0, 1, 0], [], []>, transpose_lhs_hint = false} : vector<8x768xf32>, vector<1024x768xf32>, vector<8x1024xf32> -> vector<8x1024xf32>
      %reduce_max3A = arith.constant dense<0xFF800000> : vector<1024xf32>
      %reduce_max3A_17 = vector.multi_reduction <maximumf>, %dot_general3A_16, %reduce_max3A [0] : vector<8x1024xf32> to vector<1024xf32>
      %broadcast_in_dim3A = vector.shape_cast %reduce_max3A_17 : vector<1024xf32> to vector<1x1024xf32>
      %iota3A = tpu.iota {dimensions = array<i32: 0>} : vector<8x1024xi32>
      %eq3A_18 = vector.broadcast %broadcast_in_dim3A : vector<1x1024xf32> to vector<8x1024xf32>
      %eq3A_19 = arith.cmpf oeq, %dot_general3A_16, %eq3A_18 : vector<8x1024xf32>
      %jit3A = arith.constant 8 : i32
      %broadcast_in_dim3A_20 = vector.broadcast %jit3A : i32 to vector<8x1024xi32>
      %select_n3A = arith.select %eq3A_19, %iota3A, %broadcast_in_dim3A_20 : vector<8x1024xi1>, vector<8x1024xi32>
      %reduce_min3A = arith.constant dense<2147483647> : vector<1024xi32>
      %reduce_min3A_21 = vector.multi_reduction <minsi>, %select_n3A, %reduce_min3A [0] : vector<8x1024xi32> to vector<1024xi32>
      %broadcast_in_dim3A_22 = vector.shape_cast %reduce_min3A_21 : vector<1024xi32> to vector<1x1024xi32>
      %sub3A = vector.broadcast %broadcast_in_dim3A : vector<1x1024xf32> to vector<8x1024xf32>
      %sub3A_23 = arith.subf %dot_general3A_16, %sub3A : vector<8x1024xf32>
      %exp3A = math.exp %sub3A_23 : vector<8x1024xf32>
      %reduce_sum3A = arith.constant dense<0.000000e+00> : vector<1024xf32>
      %reduce_sum3A_24 = vector.multi_reduction <add>, %exp3A, %reduce_sum3A [0] : vector<8x1024xf32> to vector<1024xf32>
      %broadcast_in_dim3A_25 = vector.shape_cast %reduce_sum3A_24 : vector<1024xf32> to vector<1x1024xf32>
      %get3A_26 = arith.constant 0 : index
      %get3A_27 = arith.constant 0 : index
      %get3A_28 = vector.load %arg9[%get3A_26, %get3A_27] : memref<1x1024xf32, #tpu.memory_space<vmem>>, vector<1x1024xf32>
      %log3A = math.log %broadcast_in_dim3A_25 : vector<1x1024xf32>
      %add3A = arith.addf %broadcast_in_dim3A, %log3A : vector<1x1024xf32>
      %add3A_29 = arith.addf %get3A_28, %add3A : vector<1x1024xf32>
      %swap3A = arith.constant 0 : index
      %swap3A_30 = arith.constant 0 : index
      %swap3A_31 = vector.load %arg9[%swap3A, %swap3A_30] : memref<1x1024xf32, #tpu.memory_space<vmem>>, vector<1x1024xf32>
      tpu.vector_store %arg9[%swap3A, %swap3A_30], %add3A_29 {strides = array<i32>} : memref<1x1024xf32, #tpu.memory_space<vmem>>, vector<1x1024xf32>,
      %get3A_32 = arith.constant 0 : index
      %get3A_33 = arith.constant 0 : index
      %get3A_34 = vector.load %arg10[%get3A_32, %get3A_33] : memref<8x1024xf32, #tpu.memory_space<vmem>>, vector<8x1024xf32>
      %div3A = vector.broadcast %broadcast_in_dim3A_25 : vector<1x1024xf32> to vector<8x1024xf32>
      %div3A_35 = arith.divf %exp3A, %div3A : vector<8x1024xf32>
      %add3A_36 = arith.addf %get3A_34, %div3A_35 : vector<8x1024xf32>
      %swap3A_37 = arith.constant 0 : index
      %swap3A_38 = arith.constant 0 : index
      %swap3A_39 = vector.load %arg10[%swap3A_37, %swap3A_38] : memref<8x1024xf32, #tpu.memory_space<vmem>>, vector<8x1024xf32>
      tpu.vector_store %arg10[%swap3A_37, %swap3A_38], %add3A_36 {strides = array<i32>} : memref<8x1024xf32, #tpu.memory_space<vmem>>, vector<8x1024xf32>,
      %eq3A_40 = vector.broadcast %broadcast_in_dim3A_22 : vector<1x1024xi32> to vector<8x1024xi32>
      %eq3A_41 = arith.cmpi eq, %iota3A, %eq3A_40 : vector<8x1024xi32>
      %convert_element_type3A_42 = arith.extui %eq3A_41 : vector<8x1024xi1> to vector<8x1024xi32>
      %convert_element_type3A_43 = arith.sitofp %convert_element_type3A_42 : vector<8x1024xi32> to vector<8x1024xf32>
      %iota3A_44 = tpu.iota {dimensions = array<i32: 0>} : vector<1024x1024xi32>
      %iota3A_45 = tpu.iota {dimensions = array<i32: 1>} : vector<1024x1024xi32>
      %lt3A_46 = arith.cmpi slt, %iota3A_44, %iota3A_45 : vector<1024x1024xi32>
      %convert_element_type3A_47 = arith.extui %lt3A_46 : vector<1024x1024xi1> to vector<1024x1024xi32>
      %convert_element_type3A_48 = arith.sitofp %convert_element_type3A_47 : vector<1024x1024xi32> to vector<1024x1024xf32>
      %dot_general3A_49 = arith.constant dense<0.000000e+00> : vector<8x1024xf32>
      %dot_general3A_50 = tpu.matmul %convert_element_type3A_43, %convert_element_type3A_48, %dot_general3A_49 {dimension_numbers = #tpu.dot_dimension_numbers<[1], [0], [0], [1], [0, 0, 1, 1], [], []>, transpose_lhs_hint = false} : vector<8x1024xf32>, vector<1024x1024xf32>, vector<8x1024xf32> -> vector<8x1024xf32>
      %get3A_51 = arith.constant 0 : index
      %get3A_52 = arith.constant 0 : index
      %get3A_53 = vector.load %arg8[%get3A_51, %get3A_52] : memref<8x1xf32, #tpu.memory_space<vmem>>, vector<8x1xf32>
      %add3A_54 = vector.broadcast %get3A_53 : vector<8x1xf32> to vector<8x1024xf32>
      %add3A_55 = arith.addf %dot_general3A_50, %add3A_54 : vector<8x1024xf32>
      %mul3A = arith.mulf %convert_element_type3A_43, %add3A_55 : vector<8x1024xf32>
      %reduce_sum3A_56 = arith.constant dense<0.000000e+00> : vector<1024xf32>
      %reduce_sum3A_57 = vector.multi_reduction <add>, %mul3A, %reduce_sum3A_56 [0] : vector<8x1024xf32> to vector<1024xf32>
      %broadcast_in_dim3A_58 = vector.shape_cast %reduce_sum3A_57 : vector<1024xf32> to vector<1x1024xf32>
      %reduce_sum3A_59 = arith.constant dense<0.000000e+00> : vector<8xf32>
      %reduce_sum3A_60 = vector.multi_reduction <add>, %convert_element_type3A_43, %reduce_sum3A_59 [1] : vector<8x1024xf32> to vector<8xf32>
      %broadcast_in_dim3A_61 = vector.shape_cast %reduce_sum3A_60 : vector<8xf32> to vector<8x1xf32>
      %add3A_62 = arith.addf %get3A_53, %broadcast_in_dim3A_61 : vector<8x1xf32>
      %swap3A_63 = arith.constant 0 : index
      %swap3A_64 = arith.constant 0 : index
      %swap3A_65 = vector.load %arg8[%swap3A_63, %swap3A_64] : memref<8x1xf32, #tpu.memory_space<vmem>>, vector<8x1xf32>
      tpu.vector_store %arg8[%swap3A_63, %swap3A_64], %add3A_62 {strides = array<i32>} : memref<8x1xf32, #tpu.memory_space<vmem>>, vector<8x1xf32>,
      %swap3A_66 = arith.index_cast %arg0 : i32 to index
      %swap3A_67 = arith.constant 0 : index
      %swap3A_68 = vector.load %arg6[%swap3A_66, %swap3A_67] : memref<8x1024xi32, #tpu.memory_space<vmem>>, vector<1x1024xi32>
      tpu.vector_store %arg6[%swap3A_66, %swap3A_67], %broadcast_in_dim3A_22 {strides = array<i32>} : memref<8x1024xi32, #tpu.memory_space<vmem>>, vector<1x1024xi32>,
      %swap3A_69 = arith.index_cast %arg0 : i32 to index
      %swap3A_70 = arith.constant 0 : index
      %swap3A_71 = vector.load %arg7[%swap3A_69, %swap3A_70] : memref<8x1024xf32, #tpu.memory_space<vmem>>, vector<1x1024xf32>
      tpu.vector_store %arg7[%swap3A_69, %swap3A_70], %broadcast_in_dim3A_58 {strides = array<i32>} : memref<8x1024xf32, #tpu.memory_space<vmem>>, vector<1x1024xf32>,
    } else {
    }
    %eq3A_6 = arith.constant 8 : i32
    %eq3A_7 = arith.cmpi eq, %arg0, %eq3A_6 : i32
    %convert_element_type3A_8 = arith.extui %eq3A_7 : i1 to i32
    %cond3A_9 = arith.constant 0 : i32
    %cond3A_10 = arith.cmpi ne, %convert_element_type3A_8, %cond3A_9 : i32
    scf.if %cond3A_10 {
      %get3A = arith.constant 0 : index
      %get3A_11 = arith.constant 0 : index
      %get3A_12 = vector.load %arg8[%get3A, %get3A_11] : memref<8x1xf32, #tpu.memory_space<vmem>>, vector<8x1xf32>
      %div3A = arith.constant 2.560000e+02 : f32
      %div3A_13 = vector.broadcast %div3A : f32 to vector<8x1xf32>
      %div3A_14 = arith.divf %get3A_12, %div3A_13 : vector<8x1xf32>
      %ceil3A = math.ceil %div3A_14 : vector<8x1xf32>
      %mul3A = arith.constant 2.560000e+02 : f32
      %mul3A_15 = vector.broadcast %mul3A : f32 to vector<8x1xf32>
      %mul3A_16 = arith.mulf %ceil3A, %mul3A_15 : vector<8x1xf32>
      %iota3A = tpu.iota {dimensions = array<i32: 0>} : vector<8x8xi32>
      %iota3A_17 = tpu.iota {dimensions = array<i32: 1>} : vector<8x8xi32>
      %lt3A_18 = arith.cmpi slt, %iota3A_17, %iota3A : vector<8x8xi32>
      %convert_element_type3A_19 = arith.extui %lt3A_18 : vector<8x8xi1> to vector<8x8xi32>
      %convert_element_type3A_20 = arith.sitofp %convert_element_type3A_19 : vector<8x8xi32> to vector<8x8xf32>
      %dot_general3A = arith.constant dense<0.000000e+00> : vector<8x1xf32>
      %dot_general3A_21 = tpu.matmul %convert_element_type3A_20, %mul3A_16, %dot_general3A {dimension_numbers = #tpu.dot_dimension_numbers<[1], [0], [0], [1], [0, 0, 1, 1], [], []>, transpose_lhs_hint = false} : vector<8x8xf32>, vector<8x1xf32>, vector<8x1xf32> -> vector<8x1xf32>
      %iota3A_22 = tpu.iota {dimensions = array<i32: 1>} : vector<1x128xi32>
      %convert_element_type3A_23 = arith.sitofp %iota3A_22 : vector<1x128xi32> to vector<1x128xf32>
      %mul3A_24 = arith.constant 2.560000e+02 : f32
      %mul3A_25 = vector.broadcast %mul3A_24 : f32 to vector<1x128xf32>
      %mul3A_26 = arith.mulf %convert_element_type3A_23, %mul3A_25 : vector<1x128xf32>
      %add3A = arith.addf %dot_general3A_21, %mul3A_16 : vector<8x1xf32>
      %le3A = vector.broadcast %add3A : vector<8x1xf32> to vector<8x128xf32>
      %le3A_27 = vector.broadcast %mul3A_26 : vector<1x128xf32> to vector<8x128xf32>
      %le3A_28 = arith.cmpf ole, %le3A, %le3A_27 : vector<8x128xf32>
      %convert_element_type3A_29 = arith.extui %le3A_28 : vector<8x128xi1> to vector<8x128xi32>
      %reduce_sum3A = arith.constant dense<0> : vector<128xi32>
      %reduce_sum3A_30 = vector.multi_reduction <add>, %convert_element_type3A_29, %reduce_sum3A [0] : vector<8x128xi32> to vector<128xi32>
      %broadcast_in_dim3A = vector.shape_cast %reduce_sum3A_30 : vector<128xi32> to vector<1x128xi32>
      %min3A = arith.constant 7 : i32
      %min3A_31 = vector.broadcast %min3A : i32 to vector<1x128xi32>
      %min3A_32 = arith.minsi %broadcast_in_dim3A, %min3A_31 : vector<1x128xi32>
      %swap3A = arith.constant 0 : index
      %swap3A_33 = arith.constant 0 : index
      %swap3A_34 = vector.load %arg4[%swap3A, %swap3A_33] : memref<8x128xi32, #tpu.memory_space<vmem>>, vector<1x128xi32>
      tpu.vector_store %arg4[%swap3A, %swap3A_33], %min3A_32 {strides = array<i32>} : memref<8x128xi32, #tpu.memory_space<vmem>>, vector<1x128xi32>,
      %get3A_35 = arith.constant 0 : index
      %get3A_36 = arith.constant 0 : index
      %get3A_37 = vector.load %arg9[%get3A_35, %get3A_36] : memref<1x1024xf32, #tpu.memory_space<vmem>>, vector<1x1024xf32>
      %reduce_sum3A_38 = arith.constant dense<0.000000e+00> : vector<1xf32>
      %reduce_sum3A_39 = vector.multi_reduction <add>, %get3A_37, %reduce_sum3A_38 [1] : vector<1x1024xf32> to vector<1xf32>
      %broadcast_in_dim3A_40 = vector.shape_cast %reduce_sum3A_39 : vector<1xf32> to vector<1x1xf32>
      %div3A_41 = arith.constant 8.192000e+03 : f32
      %div3A_42 = vector.broadcast %div3A_41 : f32 to vector<1x1xf32>
      %div3A_43 = arith.divf %broadcast_in_dim3A_40, %div3A_42 : vector<1x1xf32>
      %mul3A_44 = arith.mulf %div3A_43, %div3A_43 : vector<1x1xf32>
      %get3A_45 = arith.constant 0 : index
      %get3A_46 = arith.constant 0 : index
      %get3A_47 = vector.load %arg10[%get3A_45, %get3A_46] : memref<8x1024xf32, #tpu.memory_space<vmem>>, vector<8x1024xf32>
      %reduce_sum3A_48 = arith.constant dense<0.000000e+00> : vector<8xf32>
      %reduce_sum3A_49 = vector.multi_reduction <add>, %get3A_47, %reduce_sum3A_48 [1] : vector<8x1024xf32> to vector<8xf32>
      %broadcast_in_dim3A_50 = vector.shape_cast %reduce_sum3A_49 : vector<8xf32> to vector<8x1xf32>
      %reduce_sum3A_51 = arith.constant dense<0.000000e+00> : vector<1xf32>
      %reduce_sum3A_52 = vector.multi_reduction <add>, %broadcast_in_dim3A_50, %reduce_sum3A_51 [0] : vector<8x1xf32> to vector<1xf32>
      %broadcast_in_dim3A_53 = vector.shape_cast %reduce_sum3A_52 : vector<1xf32> to vector<1x1xf32>
      %div3A_54 = arith.constant 8.000000e+00 : f32
      %div3A_55 = vector.broadcast %div3A_54 : f32 to vector<1x1xf32>
      %div3A_56 = arith.divf %broadcast_in_dim3A_53, %div3A_55 : vector<1x1xf32>
      %sub3A = vector.broadcast %div3A_56 : vector<1x1xf32> to vector<8x1xf32>
      %sub3A_57 = arith.subf %broadcast_in_dim3A_50, %sub3A : vector<8x1xf32>
      %integer_pow3A = arith.mulf %sub3A_57, %sub3A_57 : vector<8x1xf32>
      %reduce_sum3A_58 = arith.constant dense<0.000000e+00> : vector<1xf32>
      %reduce_sum3A_59 = vector.multi_reduction <add>, %integer_pow3A, %reduce_sum3A_58 [0] : vector<8x1xf32> to vector<1xf32>
      %broadcast_in_dim3A_60 = vector.shape_cast %reduce_sum3A_59 : vector<1xf32> to vector<1x1xf32>
      %div3A_61 = arith.constant 7.000000e+00 : f32
      %div3A_62 = vector.broadcast %div3A_61 : f32 to vector<1x1xf32>
      %div3A_63 = arith.divf %broadcast_in_dim3A_60, %div3A_62 : vector<1x1xf32>
      %mul3A_64 = arith.mulf %div3A_56, %div3A_56 : vector<1x1xf32>
      %div3A_65 = arith.divf %div3A_63, %mul3A_64 : vector<1x1xf32>
      %mul3A_66 = arith.constant 1.000000e-03 : f32
      %mul3A_67 = vector.broadcast %mul3A_66 : f32 to vector<1x1xf32>
      %mul3A_68 = arith.mulf %mul3A_67, %mul3A_44 : vector<1x1xf32>
      %mul3A_69 = arith.constant 1.000000e-03 : f32
      %mul3A_70 = vector.broadcast %mul3A_69 : f32 to vector<1x1xf32>
      %mul3A_71 = arith.mulf %mul3A_70, %div3A_65 : vector<1x1xf32>
      %add3A_72 = arith.addf %mul3A_68, %mul3A_71 : vector<1x1xf32>
      %swap3A_73 = arith.constant 0 : index
      %swap3A_74 = arith.constant 0 : index
      %swap3A_75 = vector.load %arg5[%swap3A_73, %swap3A_74] : memref<1x1xf32, #tpu.memory_space<vmem>>, vector<1x1xf32>
      tpu.vector_store %arg5[%swap3A_73, %swap3A_74], %add3A_72 {strides = array<i32>} : memref<1x1xf32, #tpu.memory_space<vmem>>, vector<1x1xf32>,
      %get3A_76 = arith.constant 0 : index
      %get3A_77 = arith.constant 0 : index
      %get3A_78 = vector.load %arg6[%get3A_76, %get3A_77] : memref<8x1024xi32, #tpu.memory_space<vmem>>, vector<8x1024xi32>
      %get3A_79 = arith.constant 0 : index
      %get3A_80 = arith.constant 0 : index
      %get3A_81 = vector.load %arg7[%get3A_79, %get3A_80] : memref<8x1024xf32, #tpu.memory_space<vmem>>, vector<8x1024xf32>
      %eq3A_82 = arith.constant 0 : i32
      %eq3A_83 = vector.broadcast %eq3A_82 : i32 to vector<8x1024xi32>
      %eq3A_84 = arith.cmpi eq, %get3A_78, %eq3A_83 : vector<8x1024xi32>
      %slice3A = vector.extract_strided_slice %dot_general3A_21 {offsets = [0, 0], sizes = [1, 1], strides = [1, 1]} : vector<8x1xf32> to vector<1x1xf32>
      %jit3A = arith.constant 0.000000e+00 : f32
      %broadcast_in_dim3A_85 = vector.shape_cast %slice3A : vector<1x1xf32> to vector<1x1xf32>
      %broadcast_in_dim3A_86 = vector.broadcast %broadcast_in_dim3A_85 : vector<1x1xf32> to vector<8x1024xf32>
      %broadcast_in_dim3A_87 = vector.broadcast %jit3A : f32 to vector<8x1024xf32>
      %select_n3A = arith.select %eq3A_84, %broadcast_in_dim3A_86, %broadcast_in_dim3A_87 : vector<8x1024xi1>, vector<8x1024xf32>
      %add3A_88 = arith.addf %get3A_81, %select_n3A : vector<8x1024xf32>
      %eq3A_89 = arith.constant 1 : i32
      %eq3A_90 = vector.broadcast %eq3A_89 : i32 to vector<8x1024xi32>
      %eq3A_91 = arith.cmpi eq, %get3A_78, %eq3A_90 : vector<8x1024xi32>
      %slice3A_92 = vector.extract_strided_slice %dot_general3A_21 {offsets = [1, 0], sizes = [1, 1], strides = [1, 1]} : vector<8x1xf32> to vector<1x1xf32>
      %jit3A_93 = arith.constant 0.000000e+00 : f32
      %broadcast_in_dim3A_94 = vector.shape_cast %slice3A_92 : vector<1x1xf32> to vector<1x1xf32>
      %broadcast_in_dim3A_95 = vector.broadcast %broadcast_in_dim3A_94 : vector<1x1xf32> to vector<8x1024xf32>
      %broadcast_in_dim3A_96 = vector.broadcast %jit3A_93 : f32 to vector<8x1024xf32>
      %select_n3A_97 = arith.select %eq3A_91, %broadcast_in_dim3A_95, %broadcast_in_dim3A_96 : vector<8x1024xi1>, vector<8x1024xf32>
      %add3A_98 = arith.addf %add3A_88, %select_n3A_97 : vector<8x1024xf32>
      %eq3A_99 = arith.constant 2 : i32
      %eq3A_100 = vector.broadcast %eq3A_99 : i32 to vector<8x1024xi32>
      %eq3A_101 = arith.cmpi eq, %get3A_78, %eq3A_100 : vector<8x1024xi32>
      %slice3A_102 = vector.extract_strided_slice %dot_general3A_21 {offsets = [2, 0], sizes = [1, 1], strides = [1, 1]} : vector<8x1xf32> to vector<1x1xf32>
      %jit3A_103 = arith.constant 0.000000e+00 : f32
      %broadcast_in_dim3A_104 = vector.shape_cast %slice3A_102 : vector<1x1xf32> to vector<1x1xf32>
      %broadcast_in_dim3A_105 = vector.broadcast %broadcast_in_dim3A_104 : vector<1x1xf32> to vector<8x1024xf32>
      %broadcast_in_dim3A_106 = vector.broadcast %jit3A_103 : f32 to vector<8x1024xf32>
      %select_n3A_107 = arith.select %eq3A_101, %broadcast_in_dim3A_105, %broadcast_in_dim3A_106 : vector<8x1024xi1>, vector<8x1024xf32>
      %add3A_108 = arith.addf %add3A_98, %select_n3A_107 : vector<8x1024xf32>
      %eq3A_109 = arith.constant 3 : i32
      %eq3A_110 = vector.broadcast %eq3A_109 : i32 to vector<8x1024xi32>
      %eq3A_111 = arith.cmpi eq, %get3A_78, %eq3A_110 : vector<8x1024xi32>
      %slice3A_112 = vector.extract_strided_slice %dot_general3A_21 {offsets = [3, 0], sizes = [1, 1], strides = [1, 1]} : vector<8x1xf32> to vector<1x1xf32>
      %jit3A_113 = arith.constant 0.000000e+00 : f32
      %broadcast_in_dim3A_114 = vector.shape_cast %slice3A_112 : vector<1x1xf32> to vector<1x1xf32>
      %broadcast_in_dim3A_115 = vector.broadcast %broadcast_in_dim3A_114 : vector<1x1xf32> to vector<8x1024xf32>
      %broadcast_in_dim3A_116 = vector.broadcast %jit3A_113 : f32 to vector<8x1024xf32>
      %select_n3A_117 = arith.select %eq3A_111, %broadcast_in_dim3A_115, %broadcast_in_dim3A_116 : vector<8x1024xi1>, vector<8x1024xf32>
      %add3A_118 = arith.addf %add3A_108, %select_n3A_117 : vector<8x1024xf32>
      %eq3A_119 = arith.constant 4 : i32
      %eq3A_120 = vector.broadcast %eq3A_119 : i32 to vector<8x1024xi32>
      %eq3A_121 = arith.cmpi eq, %get3A_78, %eq3A_120 : vector<8x1024xi32>
      %slice3A_122 = vector.extract_strided_slice %dot_general3A_21 {offsets = [4, 0], sizes = [1, 1], strides = [1, 1]} : vector<8x1xf32> to vector<1x1xf32>
      %jit3A_123 = arith.constant 0.000000e+00 : f32
      %broadcast_in_dim3A_124 = vector.shape_cast %slice3A_122 : vector<1x1xf32> to vector<1x1xf32>
      %broadcast_in_dim3A_125 = vector.broadcast %broadcast_in_dim3A_124 : vector<1x1xf32> to vector<8x1024xf32>
      %broadcast_in_dim3A_126 = vector.broadcast %jit3A_123 : f32 to vector<8x1024xf32>
      %select_n3A_127 = arith.select %eq3A_121, %broadcast_in_dim3A_125, %broadcast_in_dim3A_126 : vector<8x1024xi1>, vector<8x1024xf32>
      %add3A_128 = arith.addf %add3A_118, %select_n3A_127 : vector<8x1024xf32>
      %eq3A_129 = arith.constant 5 : i32
      %eq3A_130 = vector.broadcast %eq3A_129 : i32 to vector<8x1024xi32>
      %eq3A_131 = arith.cmpi eq, %get3A_78, %eq3A_130 : vector<8x1024xi32>
      %slice3A_132 = vector.extract_strided_slice %dot_general3A_21 {offsets = [5, 0], sizes = [1, 1], strides = [1, 1]} : vector<8x1xf32> to vector<1x1xf32>
      %jit3A_133 = arith.constant 0.000000e+00 : f32
      %broadcast_in_dim3A_134 = vector.shape_cast %slice3A_132 : vector<1x1xf32> to vector<1x1xf32>
      %broadcast_in_dim3A_135 = vector.broadcast %broadcast_in_dim3A_134 : vector<1x1xf32> to vector<8x1024xf32>
      %broadcast_in_dim3A_136 = vector.broadcast %jit3A_133 : f32 to vector<8x1024xf32>
      %select_n3A_137 = arith.select %eq3A_131, %broadcast_in_dim3A_135, %broadcast_in_dim3A_136 : vector<8x1024xi1>, vector<8x1024xf32>
      %add3A_138 = arith.addf %add3A_128, %select_n3A_137 : vector<8x1024xf32>
      %eq3A_139 = arith.constant 6 : i32
      %eq3A_140 = vector.broadcast %eq3A_139 : i32 to vector<8x1024xi32>
      %eq3A_141 = arith.cmpi eq, %get3A_78, %eq3A_140 : vector<8x1024xi32>
      %slice3A_142 = vector.extract_strided_slice %dot_general3A_21 {offsets = [6, 0], sizes = [1, 1], strides = [1, 1]} : vector<8x1xf32> to vector<1x1xf32>
      %jit3A_143 = arith.constant 0.000000e+00 : f32
      %broadcast_in_dim3A_144 = vector.shape_cast %slice3A_142 : vector<1x1xf32> to vector<1x1xf32>
      %broadcast_in_dim3A_145 = vector.broadcast %broadcast_in_dim3A_144 : vector<1x1xf32> to vector<8x1024xf32>
      %broadcast_in_dim3A_146 = vector.broadcast %jit3A_143 : f32 to vector<8x1024xf32>
      %select_n3A_147 = arith.select %eq3A_141, %broadcast_in_dim3A_145, %broadcast_in_dim3A_146 : vector<8x1024xi1>, vector<8x1024xf32>
      %add3A_148 = arith.addf %add3A_138, %select_n3A_147 : vector<8x1024xf32>
      %eq3A_149 = arith.constant 7 : i32
      %eq3A_150 = vector.broadcast %eq3A_149 : i32 to vector<8x1024xi32>
      %eq3A_151 = arith.cmpi eq, %get3A_78, %eq3A_150 : vector<8x1024xi32>
      %slice3A_152 = vector.extract_strided_slice %dot_general3A_21 {offsets = [7, 0], sizes = [1, 1], strides = [1, 1]} : vector<8x1xf32> to vector<1x1xf32>
      %jit3A_153 = arith.constant 0.000000e+00 : f32
      %broadcast_in_dim3A_154 = vector.shape_cast %slice3A_152 : vector<1x1xf32> to vector<1x1xf32>
      %broadcast_in_dim3A_155 = vector.broadcast %broadcast_in_dim3A_154 : vector<1x1xf32> to vector<8x1024xf32>
      %broadcast_in_dim3A_156 = vector.broadcast %jit3A_153 : f32 to vector<8x1024xf32>
      %select_n3A_157 = arith.select %eq3A_151, %broadcast_in_dim3A_155, %broadcast_in_dim3A_156 : vector<8x1024xi1>, vector<8x1024xf32>
      %add3A_158 = arith.addf %add3A_148, %select_n3A_157 : vector<8x1024xf32>
      %convert_element_type3A_159 = arith.fptosi %add3A_158 : vector<8x1024xf32> to vector<8x1024xi32>
      %swap3A_160 = arith.constant 0 : index
      %swap3A_161 = arith.constant 0 : index
      %swap3A_162 = vector.load %arg3[%swap3A_160, %swap3A_161] : memref<8x1024xi32, #tpu.memory_space<vmem>>, vector<8x1024xi32>
      tpu.vector_store %arg3[%swap3A_160, %swap3A_161], %convert_element_type3A_159 {strides = array<i32>} : memref<8x1024xi32, #tpu.memory_space<vmem>>, vector<8x1024xi32>,
    } else {
    }
    return
  }
  func.func @transform_0(%arg0: i32) -> (i32, i32) {
    %min3A = arith.constant 7 : i32
    %min3A_0 = arith.minsi %arg0, %min3A : i32
    %c0_i32 = arith.constant 0 : i32
    %c0_i32_1 = arith.constant 0 : i32
    return %min3A_0, %c0_i32 : i32, i32
  }
  func.func @transform_1(%arg0: i32) -> (i32, i32) {
    %c0_i32 = arith.constant 0 : i32
    %c0_i32_0 = arith.constant 0 : i32
    %c0_i32_1 = arith.constant 0 : i32
    return %c0_i32, %c0_i32_0 : i32, i32
  }
  func.func @transform_2(%arg0: i32) -> (i32, i32) {
    %c0_i32 = arith.constant 0 : i32
    %c0_i32_0 = arith.constant 0 : i32
    %c0_i32_1 = arith.constant 0 : i32
    return %c0_i32, %c0_i32_0 : i32, i32
  }
  func.func @transform_3(%arg0: i32) -> (i32, i32) {
    %c0_i32 = arith.constant 0 : i32
    %c0_i32_0 = arith.constant 0 : i32
    %c0_i32_1 = arith.constant 0 : i32
    return %c0_i32, %c0_i32_0 : i32, i32
  }
  func.func @transform_4(%arg0: i32) -> (i32, i32) {
    %c0_i32 = arith.constant 0 : i32
    %c0_i32_0 = arith.constant 0 : i32
    %c0_i32_1 = arith.constant 0 : i32
    return %c0_i32, %c0_i32_0 : i32, i32
  }
}

</mosaic_0001>

<sc_bundles>
// kernel: kernel.6.cloned.1.call-start
scs
__scs_entry_jumppad:
0x0: {  	(pc) =	sbr.rel $0x88, $3  }
0x1: {  	(tag) =	ssettag $0x0;
	lr =	simm.s32 $0x1  }
0x2: {  	[smem:$0x3F9C] =	sst lr;
	_ =	strace $0xD0000000  }
0x3: {  	_ = 	snop  }
0x4: {  	_ = 	snop  }
0x5: {  	_ = 	snop  }
0x6: {  	_ = 	snop  }
0x7: {  	_ = 	snop  }
__scs_overlays_trampoline_lowered:
0x8: {  	[smem:$0x3FAB] =	sst s0  }
0x9: {  	[smem:$0x3FAC] =	sst s1  }
0xa: {  	[smem:$0x3FAD] =	sst s2  }
0xb: {  	[smem:$0x3FAE] =	sst s3  }
0xc: {  	[smem:$0x3FAF] =	sst s4  }
0xd: {  	[smem:$0x3FB0] =	sst s5  }
0xe: {  	[smem:$0x3FB1] =	sst s6  }
0xf: {  	[smem:$0x3FB2] =	sst s7  }
0x10: {  	[smem:$0x3FB3] =	sst s8  }
0x11: {  	[smem:$0x3FB4] =	sst s9;
	s0 =	simm.s32 @!p0 $0x0  }
0x12: {  	s1 =	sld [smem:$0x3F9A];
	s0 =	simm.s32 @p0 $0x1  }
0x13: {  	[smem:$0x3FB5] =	sst s0;
	s0 =	simm.s32 @!p1 $0x0  }
0x14: {  	s2 =	sld [smem:$0x3F99];
	s0 =	simm.s32 @p1 $0x1  }
0x15: {  	[smem:$0x3FB6] =	sst s0;
	s0 =	simm.s32 @!p2 $0x0  }
0x16: {  	s3 =	sld [smem:$0x3FDB];
	s0 =	simm.s32 @p2 $0x1  }
0x17: {  	s4 =	simm.s32 $0x1BF5;
	[smem:$0x3FB8] =	sst s0  }
0x18: {  	s0 =	sld [smem:$0x3F9B];
	_ =	swait.ge [sflag:s4], $0x0  }
0x19: {  	s7 =	sld [smem:$0x3F9C]  }
0x1a: {  	s8 =	sadd.s32 $0xFFFFE003, lr  }
0x1b: {  	s9 =	sadd.s32 $0xFFFFFEF7, lr;
	s5 =	simm.s32 $0xFFFFFFFF;
	p2 =	slt.u32 s8, $0xFFFFF086  }
0x1c: {  	p1 =	slt.u32 s9, $0xF7A;
	s5 =	simm.s32 @!p2 $0x0  }
0x1d: {  	s5 =	simm.s32 @p1 $0x1;
	p0 =	seq.s32 s7, s2  }
0x1e: {  	s7 =	smul.u32 @!p0 $0xF7A, s2;
	p2 =	seq.s32 @!p0 s5, $0x0  }
0x1f: {  	s9 =	smul.u32 $0xF7A, s1;
	s8 =	simm.s32 @!p0 $0x1BF5;
	p2 =	por !p2, p0  }
0x20: {  	[sflag:s8] =	ssyncset.s32 @!p0 $0xFFFFF086;
	s6 =	sadd.s32 @!p0 s3, s7;
	s7 =	simm.s32 @!p0 $0x108  }
0x21: {  	s3 =	sadd.s32 s3, s9;
	s6 =	sadd.s32 @!p0 $0x88, s6;
	s7 =	simm.s32 @p2 $0x1082  }
0x22: {  	[simem:s7], [sflag:s8] =	dma.local @!p0 [hbm:s6], $0xF7A  }
0x23: {  	s9 =	sor.u32 $0xD0000000, s2;
	s6 =	simm.s32 $0x108;
	_ =	swait.ge @!p0 [sflag:s8], $0x0  }
0x24: {  	s3 =	sadd.s32 $0x88, s3;
	s6 =	simm.s32 @!p1 $0x1082;
	[sflag:s4] =	ssyncset.s32 $0xFFFFF086  }
0x25: {  	[simem:s6], [sflag:s4] =	dma.local [hbm:s3], $0xF7A  }
0x26: {  	[smem:$0x3F9C] =	sst s1;
	(tag) =	ssettag s2;
	_ =	strace s9  }
0x27: {  	s1 =	sld [smem:$0x3FAC]  }
0x28: {  	s2 =	sld [smem:$0x3FAD]  }
0x29: {  	s4 =	sld [smem:$0x3FAF]  }
0x2a: {  	p0 =	seq.s32 s5, $0x0;
	s5 =	sld [smem:$0x3FB0]  }
0x2b: {  	s6 =	sld [smem:$0x3FB1]  }
0x2c: {  	s7 =	sld [smem:$0x3FB2]  }
0x2d: {  	s3 =	simm.s32 $0x108;
	s8 =	sld [smem:$0x3FB3]  }
0x2e: {  	s3 =	simm.s32 @!p0 $0x1082;
	s9 =	sld [smem:$0x3FB4]  }
0x2f: {  	lr =	sadd.s32 s0, s3;
	s0 =	sld [smem:$0x3FAB]  }
0x30: {  	s3 =	sld [smem:$0x3FAE]  }
0x31: {  	[smem:$0x3FB7] =	sst s10  }
0x32: {  	s10 =	sld [smem:$0x3FB5];
	_ =	sdelay $0x3  }
0x33: {  	p0 =	seq.s32 s10, $0x1;
	s10 =	sld [smem:$0x3FB7];
	_ =	sdelay $0x3  }
0x34: {  	[smem:$0x3FB7] =	sst s10  }
0x35: {  	s10 =	sld [smem:$0x3FB6];
	_ =	sdelay $0x3  }
0x36: {  	p1 =	seq.s32 s10, $0x1;
	s10 =	sld [smem:$0x3FB7];
	_ =	sdelay $0x3  }
0x37: {  	[smem:$0x3FB7] =	sst s10  }
0x38: {  	s10 =	sld [smem:$0x3FB8]  }
0x39: {  	_ = 	snop;
	(pc) =	sbr.ind lr, $3  }
0x3a: {  	_ = 	snop  }
0x3b: {  	_ = 	snop  }
0x3c: {  	p2 =	seq.s32 s10, $0x1;
	s10 =	sld [smem:$0x3FB7]  }
0x3d: {  	_ =	shalt  }
0x3e: {  	_ =	shalt  }
0x3f: {  	_ =	shalt  }
0x40: {  	_ =	shalt  }
0x41: {  	_ =	shalt  }
0x42: {  	_ =	shalt  }
0x43: {  	_ =	shalt  }
0x44: {  	_ =	shalt  }
0x45: {  	_ =	shalt  }
0x46: {  	_ =	shalt  }
0x47: {  	_ =	shalt  }
0x48: {  	_ =	shalt  }
0x49: {  	_ =	shalt  }
0x4a: {  	_ =	shalt  }
0x4b: {  	_ =	shalt  }
0x4c: {  	_ =	shalt  }
0x4d: {  	_ =	shalt  }
0x4e: {  	_ =	shalt  }
0x4f: {  	_ =	shalt  }
0x50: {  	_ =	shalt  }
0x51: {  	_ =	shalt  }
0x52: {  	_ =	shalt  }
0x53: {  	_ =	shalt  }
0x54: {  	_ =	shalt  }
0x55: {  	_ =	shalt  }
0x56: {  	_ =	shalt  }
0x57: {  	_ =	shalt  }
0x58: {  	_ =	shalt  }
0x59: {  	_ =	shalt  }
0x5a: {  	_ =	shalt  }
0x5b: {  	_ =	shalt  }
0x5c: {  	_ =	shalt  }
0x5d: {  	_ =	shalt  }
0x5e: {  	_ =	shalt  }
0x5f: {  	_ =	shalt  }
0x60: {  	_ =	shalt  }
0x61: {  	_ =	shalt  }
0x62: {  	_ =	shalt  }
0x63: {  	_ =	shalt  }
0x64: {  	_ =	shalt  }
0x65: {  	_ =	shalt  }
0x66: {  	_ =	shalt  }
0x67: {  	_ =	shalt  }
0x68: {  	_ =	shalt  }
0x69: {  	_ =	shalt  }
0x6a: {  	_ =	shalt  }
0x6b: {  	_ =	shalt  }
0x6c: {  	_ =	shalt  }
0x6d: {  	_ =	shalt  }
0x6e: {  	_ =	shalt  }
0x6f: {  	_ =	shalt  }
0x70: {  	_ =	shalt  }
0x71: {  	_ =	shalt  }
0x72: {  	_ =	shalt  }
0x73: {  	_ =	shalt  }
0x74: {  	_ =	shalt  }
0x75: {  	_ =	shalt  }
0x76: {  	_ =	shalt  }
0x77: {  	_ =	shalt  }
0x78: {  	_ =	shalt  }
0x79: {  	_ =	shalt  }
0x7a: {  	_ =	shalt  }
0x7b: {  	_ =	shalt  }
0x7c: {  	_ =	shalt  }
0x7d: {  	_ =	shalt  }
0x7e: {  	_ =	shalt  }
0x7f: {  	_ =	shalt  }
0x80: {  	_ =	shalt  }
0x81: {  	_ =	shalt  }
0x82: {  	_ =	shalt  }
0x83: {  	_ =	shalt  }
0x84: {  	_ =	shalt  }
0x85: {  	_ =	shalt  }
0x86: {  	_ =	shalt  }
0x87: {  	_ =	shalt  }
.Lfunc_end0:
.L_simem_size_0:
called_computation_lowered:
.L_overlay_start_0:
0x88: {  	s2 =	sld [smem:$0x3FD9]  }
0x89: {  	s3 =	sld [smem:$0x3FFE];
	_ =	sdelay $0x1  }
0x8a: {  	s1 =	srdreg.scid  }
0x8b: {  	s0 =	sand.u32 $0x1, s1  }
0x8c: {  	s17 =	sshll.u32 s0, $0xA;
	s2 =	sadd.s32 s3, s2  }
0x8d: {  	s2 =	sadd.s32 s2, s17  }
0x8e: {  	[smem:$0x3FC3] =	sst s2  }
0x8f: {  	_ = 	snop  }
0x90: {  	s2 =	sld [smem:$0x3FC9];
	(tm) =	ssettm $0x1  }
0x91: {  	s18 =	sld [smem:$0x3FFB];
	_ =	sdelay $0x3  }
0x92: {  	_ =	strace s18  }
0x93: {  	s3 =	sld [smem:$0x3FFC];
	_ =	sdelay $0x3  }
0x94: {  	_ =	strace s3  }
0x95: {  	s3 =	sld [smem:$0x3FFD];
	_ =	sdelay $0x3  }
0x96: {  	_ =	strace s3  }
0x97: {  	_ =	strace $0x8FFFFFFF  }
0x98: {  	s19 =	sld [smem:$0x3FDB];
	_ =	sdelay $0x1  }
0x99: {  	s4 =	simm.s32 $_scs_section_size  }
0x9a: {  	s5 =	simm.s32 $_size__tile_overlayer_lowered;
	s6 =	simm.s32 $_tile_overlayer_lowered  }
0x9b: {  	s22 =	simm.s32 $0x1BFF;
	s21 =	sshll.u32 s6, $0x1;
	s3 =	sadd.s32 s4, s19  }
0x9c: {  	s7 =	simm.s32 $0x0;
	s20 =	sshll.u32 s5, $0x1;
	s5 =	sadd.s32 s21, s3  }
0x9d: {  	[timem:s7], [sflag:s22] =	dma.local [hbm:s5], s20  }
0x9e: {  	_ =	swait.ge [sflag:s22], s20  }
0x9f: {  	s4 =	ssub.s32 $0x0, s20;
	[sflag:s22] =	ssyncset.done $0x0  }
0xa0: {  	[sflag:s22] =	ssyncadd.s32 s4;
	_ =	sdelay $0x1  }
0xa1: {  	s23 =	simm.s32 $0x1B8B  }
0xa2: {  	_ =	swait.ge [sflag:s23], $0x1  }
0xa3: {  	[sflag:s23] =	ssyncset.done $0x0  }
0xa4: {  	s25 =	simm.s32 $0x1B8E;
	s24 =	sld [smem:$0x3FFE];
	[sflag:s23] =	ssyncadd.s32 $0xFFFFFFFF  }
0xa5: {  	s26 =	simm.s32 $execute0_lowered;
	[smem:$0x3FD2] =	sst s25  }
0xa6: {  	s5 =	sshll.u32 s26, $0x1;
	_ =	strace $0x80000046;
	[dreg:$0x1] =	wrdreg $0xFFFFFFFF  }
0xa7: {  	s28 =	simm.s32 $_size_execute0_lowered;
	s3 =	sadd.s32 s3, s5;
	[dreg:$0x0] =	wrdreg $0x0  }
0xa8: {  	s5 =	sshll.u32 s28, $0x1;
	[dreg:$0x2] =	wrdreg s3  }
0xa9: {  	[dreg:$0x3] =	wrdreg s5  }
0xaa: {  	[dreg:$0x4] =	wrdreg $0xC0  }
0xab: {  	_ =	task [dreg:s7], $0x5FFFF  }
0xac: {  	[dreg:$0x1] =	wrdreg $0xFFFFFFFF  }
0xad: {  	[dreg:$0x0] =	wrdreg $0x60  }
0xae: {  	[dreg:$0x2] =	wrdreg s2  }
0xaf: {  	[dreg:$0x3] =	wrdreg s24  }
0xb0: {  	[dreg:$0x4] =	wrdreg $0x9  }
0xb1: {  	_ =	task.clear_ibuf [dreg:s7], $0x5FFFF;
	_ =	strace $0x90000046  }
0xb2: {  	s29 =	simm.s32 $0x9;
	_ =	strace $0x80000048  }
0xb3: {  	_ =	swait.ge [sflag:s29], $0x1  }
0xb4: {  	[sflag:s29] =	ssyncadd.s32 $0xFFFFFFFF  }
0xb5: {  	_ =	strace $0x90000048  }
0xb6: {  	_ =	sfence  }
0xb7: {  	s30 =	sld [smem:$0x0];
	_ =	sdelay $0x2  }
0xb8: {  	s31 =	sshll.u32 s1, $0xD;
	s1 =	sshrl.u32 s1, $0x2  }
0xb9: {  	s3 =	sand.u32 $0x4000, s31;
	s1 =	sadd.s32 s1, s30  }
0xba: {  	s0 =	sor.u32 s3, s0;
	s1 =	sshll.u32 s1, $0x11  }
0xbb: {  	s0 =	sor.u32 s1, s0  }
0xbc: {  	s0 =	sadd.s32 $0x8F2B, s0  }
0xbd: {  	[sflag:s0] =	ssyncadd.remote.s32 $0x1  }
0xbe: {  	_ =	sfence.sel $0xFFFF  }
0xbf: {  	[dreg:$0x0] =	wrdreg $0xFFFFFFFF;
	(pc) =	sbr.abs _section_cstart, $3  }
0xc0: {  	[dreg:$0x1] =	wrdreg $0xFFFFFFFF  }
0xc1: {  	_ =	task.clear_ibuf [dreg:s7], $0x2FFFF;
	_ =	strace $0x9FFFFFFF  }
0xc2: {  	(tm) =	ssettm $0x7FFFFFFF  }
0xc3: {  	_ =	shalt  }
tec
execute0_lowered:
.L_overlay_start_1:
0x0: {  	(tag) =	ssettag $0x1  }
0x1: {  	s0 =	srdreg.scid;
	s1 =	rddreg [dreg:$0x0]  }
0x2: {  	s2 =	stileid.u32;
	s4 =	rddreg [dreg:$0x1]  }
0x3: {  	s16 =	simm.s32 $0x4;
	s12 =	simm.s32 $0x1;
	s18 =	simm.s32 $0x900  }
0x4: {  	s19 =	simm.s32 $0x1100;
	s20 =	simm.s32 $0x1900;
	s21 =	simm.s32 $0x2100  }
0x5: {  	s22 =	simm.s32 $0x2900;
	s28 =	simm.s32 $0x5100;
	s29 =	simm.s32 $0x5900  }
0x6: {  	s30 =	simm.s32 $0x6100;
	s31 =	simm.s32 $0x6900;
	s13 =	simm.s32 $0x8900  }
0x7: {  	s14 =	simm.s32 $0x9100;
	s9 =	simm.s32 $0xA100;
	s0 =	sand.u32 $0x1, s0  }
0x8: {  	s10 =	simm.s32 $0xA900;
	s5 =	sshll.u32 s2, $0x5;
	s3 =	sshll.u32 s0, $0x9  }
0x9: {  	s15 =	simm.s32 $0x2;
	s2 =	simm.s32 $0x0;
	s3 =	sor.u32 s5, s3  }
0xa: {  	[smem:$0x7FF] =	sst s2;
	s0 =	ssub.s32 $0x2, s0;
	s5 =	smul.u32 $0x300, s3  }
0xb: {  	_ =	strace $0x80000047;
	s25 =	sshrl.u32 s0, $0x1;
	s6 =	smul.u32 $0x1800, s3  }
0xc: {  	s7 =	sadd.s32 s3, s4;
	s3 =	sadd.s32 $0x1000, s4;
	s0 =	ssub.s32 s0, s25  }
0xd: {  	s25 =	simm.s32 $0x4100;
	s7 =	sadd.s32 $0xC00, s7;
	s8 =	sadd.s32 s1, s5  }
0xe: {  	s23 =	sshrl.u32 s6, $0x3;
	[dreg:$0x3] =	wrdreg s7;
	s5 =	sadd.s32 $0x1100, s4  }
0xf: {  	s6 =	sadd.s32 $0x1200, s4;
	s7 =	smax.u32 s0, $0x1;
	s4 =	simm.s32 $0x3  }
0x10: {  	[dreg:$0x7] =	wrdreg s8;
	s24 =	sadd.s32 $0x1800, s8;
	s1 =	sadd.s32 s1, s23  }
0x11: {  	v2 =	vlaneseq.u32;
	s23 =	simm.s32 $0x3100;
	[dreg:$0x4] =	wrdreg s24;
	s26 =	sadd.s32 $0x3000, s1  }
0x12: {  	vm0 =	vmmov $0xffff;
	v1 =	vshrl.u32 v2, $0x3;
	s1 =	sadd.s32 $0x4800, s1;
	s24 =	simm.s32 $0x3900;
	[dreg:$0x5] =	wrdreg s26  }
0x13: {  	v0 =	vand.u32 $0x7, v2;
	v2 =	vor.u32 $0x8, v2;
	v1 =	vmul.u32 $0x8, v1;
	[dreg:$0x6] =	wrdreg s1;
	s26 =	simm.s32 $0x4900;
	s1 =	simm.s32 $0xB900  }
.LBB2_1:
0x14: {  	s17 =	rddreg [dreg:$0x3];
	s0 =	simm.s32 $0x5  }
0x15: {  	[tilespmem:s2], [sflag:$0x5] =	stream.linear.gather [hbm4b:s17+s2], $0x100, $0x38;
	[tilespmem:$0x18100] =	vst v63  }
0x16: {  	_ =	swait.ge [sflag:s0], $0x100  }
0x17: {  	[sflag:s0] =	ssyncset.done $0x0  }
0x18: {  	s11 =	simm.s32 $0x100;
	[sflag:s0] =	ssyncadd.s32 $0xFFFFFF00;
	s0 =	rddreg [dreg:$0x7]  }
0x19: {  	[tilespmem:s11], [sflag:$0x1] =	stream.linear.gather [hbm4b:s0+s2], $0xC000, $0x38;
	[tilespmem:$0x18100] =	vst v63  }
0x1a: {  	_ =	swait.ge [sflag:s12], $0xC000  }
0x1b: {  	[sflag:s12] =	ssyncset.done $0x0  }
0x1c: {  	[sflag:s12] =	ssyncadd.s32 $0xFFFF4000  }
0x1d: {  	v3 =	vld [tilespmem:$0x0];
	_ =	sdelay $0x4  }
0x1e: {  	v4 =	vshrl.u32 v3, $0x3  }
0x1f: {  	v4 =	vmul.u32 $0x30, v4  }
0x20: {  	v3 =	vand.u32 $0x7, v3  }
0x21: {  	v3 =	vor.u32 v3, v4  }
0x22: {  	v4 =	vperm.xlane v3, v0;
	_ =	sdelay $0x1  }
0x23: {  	v4 =	vadd.s32 v1, v4;
	_ =	sdelay $0x3  }
0x24: {  	v3 =	vperm.xlane v3, v2  }
0x25: {  	[hbm4b:s3+s2] =	stream.indirect_vreg.scatter [tilespmem:s11], [sflag:$0x3], $0x80, v4, vm0, $0xb8;
	[tilespmem:$0x18100] =	vst v63  }
0x26: {  	v3 =	vadd.s32 v1, v3  }
0x27: {  	[hbm4b:s5+s2] =	stream.indirect_vreg.scatter [tilespmem:s18], [sflag:$0x3], $0x80, v4, vm0, $0xb8;
	[tilespmem:$0x18100] =	vst v63  }
0x28: {  	_ = 	snop  }
0x29: {  	[hbm4b:s6+s2] =	stream.indirect_vreg.scatter [tilespmem:s19], [sflag:$0x3], $0x80, v4, vm0, $0xb8;
	[tilespmem:$0x18100] =	vst v63  }
0x2a: {  	_ = 	snop  }
0x2b: {  	[hbm4b:s3+s2] =	stream.indirect_vreg.scatter [tilespmem:s20], [sflag:$0x3], $0x80, v3, vm0, $0xb8;
	[tilespmem:$0x18100] =	vst v63  }
0x2c: {  	_ = 	snop  }
0x2d: {  	[hbm4b:s5+s2] =	stream.indirect_vreg.scatter [tilespmem:s21], [sflag:$0x3], $0x80, v3, vm0, $0xb8;
	[tilespmem:$0x18100] =	vst v63  }
0x2e: {  	_ = 	snop  }
0x2f: {  	[hbm4b:s6+s2] =	stream.indirect_vreg.scatter [tilespmem:s22], [sflag:$0x3], $0x80, v3, vm0, $0xb8;
	[tilespmem:$0x18100] =	vst v63  }
0x30: {  	v3 =	vld [tilespmem:$0x10];
	_ =	sdelay $0x4  }
0x31: {  	v49 =	vshrl.u32 v3, $0x3  }
0x32: {  	v4 =	vmul.u32 $0x30, v49  }
0x33: {  	v3 =	vand.u32 $0x7, v3  }
0x34: {  	v3 =	vor.u32 v3, v4  }
0x35: {  	v4 =	vperm.xlane v3, v0;
	_ =	sdelay $0x1  }
0x36: {  	v4 =	vadd.s32 v1, v4;
	_ =	sdelay $0x3  }
0x37: {  	v3 =	vperm.xlane v3, v2  }
0x38: {  	[hbm4b:s3+s2] =	stream.indirect_vreg.scatter [tilespmem:s23], [sflag:$0x3], $0x80, v4, vm0, $0xb8;
	[tilespmem:$0x18100] =	vst v63  }
0x39: {  	v3 =	vadd.s32 v1, v3  }
0x3a: {  	[hbm4b:s5+s2] =	stream.indirect_vreg.scatter [tilespmem:s24], [sflag:$0x3], $0x80, v4, vm0, $0xb8;
	[tilespmem:$0x18100] =	vst v63  }
0x3b: {  	_ = 	snop  }
0x3c: {  	[hbm4b:s6+s2] =	stream.indirect_vreg.scatter [tilespmem:s25], [sflag:$0x3], $0x80, v4, vm0, $0xb8;
	[tilespmem:$0x18100] =	vst v63  }
0x3d: {  	_ = 	snop  }
0x3e: {  	[hbm4b:s3+s2] =	stream.indirect_vreg.scatter [tilespmem:s26], [sflag:$0x3], $0x80, v3, vm0, $0xb8;
	[tilespmem:$0x18100] =	vst v63  }
0x3f: {  	_ = 	snop  }
0x40: {  	[hbm4b:s5+s2] =	stream.indirect_vreg.scatter [tilespmem:s28], [sflag:$0x3], $0x80, v3, vm0, $0xb8;
	[tilespmem:$0x18100] =	vst v63  }
0x41: {  	_ = 	snop  }
0x42: {  	[hbm4b:s6+s2] =	stream.indirect_vreg.scatter [tilespmem:s29], [sflag:$0x3], $0x80, v3, vm0, $0xb8;
	[tilespmem:$0x18100] =	vst v63  }
0x43: {  	v3 =	vld [tilespmem:$0x20];
	_ =	sdelay $0x4  }
0x44: {  	v50 =	vshrl.u32 v3, $0x3  }
0x45: {  	v4 =	vmul.u32 $0x30, v50  }
0x46: {  	v3 =	vand.u32 $0x7, v3  }
0x47: {  	v3 =	vor.u32 v3, v4  }
0x48: {  	v4 =	vperm.xlane v3, v0;
	_ =	sdelay $0x1  }
0x49: {  	v4 =	vadd.s32 v1, v4;
	_ =	sdelay $0x3  }
0x4a: {  	v3 =	vperm.xlane v3, v2  }
0x4b: {  	[hbm4b:s3+s2] =	stream.indirect_vreg.scatter [tilespmem:s30], [sflag:$0x3], $0x80, v4, vm0, $0xb8;
	[tilespmem:$0x18100] =	vst v63  }
0x4c: {  	v3 =	vadd.s32 v1, v3  }
0x4d: {  	[hbm4b:s5+s2] =	stream.indirect_vreg.scatter [tilespmem:s31], [sflag:$0x3], $0x80, v4, vm0, $0xb8;
	[tilespmem:$0x18100] =	vst v63  }
0x4e: {  	s8 =	simm.s32 $0x7100  }
0x4f: {  	[hbm4b:s6+s2] =	stream.indirect_vreg.scatter [tilespmem:s8], [sflag:$0x3], $0x80, v4, vm0, $0xb8;
	[tilespmem:$0x18100] =	vst v63  }
0x50: {  	s17 =	simm.s32 $0x7900  }
0x51: {  	[hbm4b:s3+s2] =	stream.indirect_vreg.scatter [tilespmem:s17], [sflag:$0x3], $0x80, v3, vm0, $0xb8;
	[tilespmem:$0x18100] =	vst v63  }
0x52: {  	s8 =	simm.s32 $0x8100  }
0x53: {  	[hbm4b:s5+s2] =	stream.indirect_vreg.scatter [tilespmem:s8], [sflag:$0x3], $0x80, v3, vm0, $0xb8;
	[tilespmem:$0x18100] =	vst v63  }
0x54: {  	_ = 	snop  }
0x55: {  	[hbm4b:s6+s2] =	stream.indirect_vreg.scatter [tilespmem:s13], [sflag:$0x3], $0x80, v3, vm0, $0xb8;
	[tilespmem:$0x18100] =	vst v63  }
0x56: {  	v3 =	vld [tilespmem:$0x30];
	_ =	sdelay $0x4  }
0x57: {  	v51 =	vshrl.u32 v3, $0x3  }
0x58: {  	v4 =	vmul.u32 $0x30, v51  }
0x59: {  	v3 =	vand.u32 $0x7, v3  }
0x5a: {  	v3 =	vor.u32 v3, v4  }
0x5b: {  	v4 =	vperm.xlane v3, v0;
	_ =	sdelay $0x1  }
0x5c: {  	v4 =	vadd.s32 v1, v4;
	_ =	sdelay $0x3  }
0x5d: {  	v3 =	vperm.xlane v3, v2  }
0x5e: {  	[hbm4b:s3+s2] =	stream.indirect_vreg.scatter [tilespmem:s14], [sflag:$0x3], $0x80, v4, vm0, $0xb8;
	[tilespmem:$0x18100] =	vst v63  }
0x5f: {  	s8 =	simm.s32 $0x9900;
	v3 =	vadd.s32 v1, v3  }
0x60: {  	[hbm4b:s5+s2] =	stream.indirect_vreg.scatter [tilespmem:s8], [sflag:$0x3], $0x80, v4, vm0, $0xb8;
	[tilespmem:$0x18100] =	vst v63  }
0x61: {  	_ = 	snop  }
0x62: {  	[hbm4b:s6+s2] =	stream.indirect_vreg.scatter [tilespmem:s9], [sflag:$0x3], $0x80, v4, vm0, $0xb8;
	[tilespmem:$0x18100] =	vst v63  }
0x63: {  	_ = 	snop  }
0x64: {  	[hbm4b:s3+s2] =	stream.indirect_vreg.scatter [tilespmem:s10], [sflag:$0x3], $0x80, v3, vm0, $0xb8;
	[tilespmem:$0x18100] =	vst v63  }
0x65: {  	s17 =	simm.s32 $0xB100  }
0x66: {  	[hbm4b:s5+s2] =	stream.indirect_vreg.scatter [tilespmem:s17], [sflag:$0x3], $0x80, v3, vm0, $0xb8;
	[tilespmem:$0x18100] =	vst v63  }
0x67: {  	_ = 	snop  }
0x68: {  	[hbm4b:s6+s2] =	stream.indirect_vreg.scatter [tilespmem:s1], [sflag:$0x3], $0x80, v3, vm0, $0xb8;
	[tilespmem:$0x18100] =	vst v63  }
0x69: {  	s0 =	simm.s32 $0xC100;
	s17 =	rddreg [dreg:$0x4]  }
0x6a: {  	[tilespmem:s0], [sflag:$0x2] =	stream.linear.gather [hbm4b:s17+s2], $0xC000, $0x38;
	[tilespmem:$0x18100] =	vst v63  }
0x6b: {  	_ =	swait.ge [sflag:s15], $0xC000  }
0x6c: {  	[sflag:s15] =	ssyncset.done $0x0  }
0x6d: {  	[sflag:s15] =	ssyncadd.s32 $0xFFFF4000  }
0x6e: {  	v3 =	vld [tilespmem:$0x40];
	_ =	sdelay $0x4  }
0x6f: {  	v52 =	vshrl.u32 v3, $0x3  }
0x70: {  	v4 =	vmul.u32 $0x30, v52  }
0x71: {  	v3 =	vand.u32 $0x7, v3  }
0x72: {  	v3 =	vor.u32 v3, v4  }
0x73: {  	v4 =	vperm.xlane v3, v0;
	_ =	sdelay $0x1  }
0x74: {  	v4 =	vadd.s32 v1, v4;
	_ =	sdelay $0x3  }
0x75: {  	v3 =	vperm.xlane v3, v2  }
0x76: {  	[hbm4b:s3+s2] =	stream.indirect_vreg.scatter [tilespmem:s0], [sflag:$0x4], $0x80, v4, vm0, $0xb8;
	[tilespmem:$0x18100] =	vst v63  }
0x77: {  	s17 =	simm.s32 $0xC900;
	v3 =	vadd.s32 v1, v3  }
0x78: {  	[hbm4b:s5+s2] =	stream.indirect_vreg.scatter [tilespmem:s17], [sflag:$0x4], $0x80, v4, vm0, $0xb8;
	[tilespmem:$0x18100] =	vst v63  }
0x79: {  	s17 =	simm.s32 $0xD100  }
0x7a: {  	[hbm4b:s6+s2] =	stream.indirect_vreg.scatter [tilespmem:s17], [sflag:$0x4], $0x80, v4, vm0, $0xb8;
	[tilespmem:$0x18100] =	vst v63  }
0x7b: {  	s17 =	simm.s32 $0xD900  }
0x7c: {  	[hbm4b:s3+s2] =	stream.indirect_vreg.scatter [tilespmem:s17], [sflag:$0x4], $0x80, v3, vm0, $0xb8;
	[tilespmem:$0x18100] =	vst v63  }
0x7d: {  	s17 =	simm.s32 $0xE100  }
0x7e: {  	[hbm4b:s5+s2] =	stream.indirect_vreg.scatter [tilespmem:s17], [sflag:$0x4], $0x80, v3, vm0, $0xb8;
	[tilespmem:$0x18100] =	vst v63  }
0x7f: {  	s17 =	simm.s32 $0xE900  }
0x80: {  	[hbm4b:s6+s2] =	stream.indirect_vreg.scatter [tilespmem:s17], [sflag:$0x4], $0x80, v3, vm0, $0xb8;
	[tilespmem:$0x18100] =	vst v63  }
0x81: {  	v3 =	vld [tilespmem:$0x50];
	_ =	sdelay $0x4  }
0x82: {  	v53 =	vshrl.u32 v3, $0x3  }
0x83: {  	v4 =	vmul.u32 $0x30, v53  }
0x84: {  	v3 =	vand.u32 $0x7, v3  }
0x85: {  	v3 =	vor.u32 v3, v4  }
0x86: {  	v4 =	vperm.xlane v3, v0;
	_ =	sdelay $0x1  }
0x87: {  	v4 =	vadd.s32 v1, v4;
	_ =	sdelay $0x3  }
0x88: {  	s17 =	simm.s32 $0xF100;
	v3 =	vperm.xlane v3, v2  }
0x89: {  	[hbm4b:s3+s2] =	stream.indirect_vreg.scatter [tilespmem:s17], [sflag:$0x4], $0x80, v4, vm0, $0xb8;
	[tilespmem:$0x18100] =	vst v63  }
0x8a: {  	v3 =	vadd.s32 v1, v3;
	s17 =	simm.s32 $0xF900  }
0x8b: {  	[hbm4b:s5+s2] =	stream.indirect_vreg.scatter [tilespmem:s17], [sflag:$0x4], $0x80, v4, vm0, $0xb8;
	[tilespmem:$0x18100] =	vst v63  }
0x8c: {  	s17 =	simm.s32 $0x10100  }
0x8d: {  	[hbm4b:s6+s2] =	stream.indirect_vreg.scatter [tilespmem:s17], [sflag:$0x4], $0x80, v4, vm0, $0xb8;
	[tilespmem:$0x18100] =	vst v63  }
0x8e: {  	s17 =	simm.s32 $0x10900  }
0x8f: {  	[hbm4b:s3+s2] =	stream.indirect_vreg.scatter [tilespmem:s17], [sflag:$0x4], $0x80, v3, vm0, $0xb8;
	[tilespmem:$0x18100] =	vst v63  }
0x90: {  	s17 =	simm.s32 $0x11100  }
0x91: {  	[hbm4b:s5+s2] =	stream.indirect_vreg.scatter [tilespmem:s17], [sflag:$0x4], $0x80, v3, vm0, $0xb8;
	[tilespmem:$0x18100] =	vst v63  }
0x92: {  	s17 =	simm.s32 $0x11900  }
0x93: {  	[hbm4b:s6+s2] =	stream.indirect_vreg.scatter [tilespmem:s17], [sflag:$0x4], $0x80, v3, vm0, $0xb8;
	[tilespmem:$0x18100] =	vst v63  }
0x94: {  	v3 =	vld [tilespmem:$0x60];
	_ =	sdelay $0x4  }
0x95: {  	v54 =	vshrl.u32 v3, $0x3  }
0x96: {  	v4 =	vmul.u32 $0x30, v54  }
0x97: {  	v3 =	vand.u32 $0x7, v3  }
0x98: {  	v3 =	vor.u32 v3, v4  }
0x99: {  	v4 =	vperm.xlane v3, v0;
	_ =	sdelay $0x1  }
0x9a: {  	v4 =	vadd.s32 v1, v4;
	_ =	sdelay $0x3  }
0x9b: {  	s17 =	simm.s32 $0x12100;
	v3 =	vperm.xlane v3, v2  }
0x9c: {  	[hbm4b:s3+s2] =	stream.indirect_vreg.scatter [tilespmem:s17], [sflag:$0x4], $0x80, v4, vm0, $0xb8;
	[tilespmem:$0x18100] =	vst v63  }
0x9d: {  	v3 =	vadd.s32 v1, v3;
	s17 =	simm.s32 $0x12900  }
0x9e: {  	[hbm4b:s5+s2] =	stream.indirect_vreg.scatter [tilespmem:s17], [sflag:$0x4], $0x80, v4, vm0, $0xb8;
	[tilespmem:$0x18100] =	vst v63  }
0x9f: {  	s17 =	simm.s32 $0x13100  }
0xa0: {  	[hbm4b:s6+s2] =	stream.indirect_vreg.scatter [tilespmem:s17], [sflag:$0x4], $0x80, v4, vm0, $0xb8;
	[tilespmem:$0x18100] =	vst v63  }
0xa1: {  	s17 =	simm.s32 $0x13900  }
0xa2: {  	[hbm4b:s3+s2] =	stream.indirect_vreg.scatter [tilespmem:s17], [sflag:$0x4], $0x80, v3, vm0, $0xb8;
	[tilespmem:$0x18100] =	vst v63  }
0xa3: {  	s17 =	simm.s32 $0x14100  }
0xa4: {  	[hbm4b:s5+s2] =	stream.indirect_vreg.scatter [tilespmem:s17], [sflag:$0x4], $0x80, v3, vm0, $0xb8;
	[tilespmem:$0x18100] =	vst v63  }
0xa5: {  	s17 =	simm.s32 $0x14900  }
0xa6: {  	[hbm4b:s6+s2] =	stream.indirect_vreg.scatter [tilespmem:s17], [sflag:$0x4], $0x80, v3, vm0, $0xb8;
	[tilespmem:$0x18100] =	vst v63  }
0xa7: {  	v3 =	vld [tilespmem:$0x70];
	_ =	sdelay $0x4  }
0xa8: {  	v55 =	vshrl.u32 v3, $0x3  }
0xa9: {  	v4 =	vmul.u32 $0x30, v55  }
0xaa: {  	v3 =	vand.u32 $0x7, v3  }
0xab: {  	v3 =	vor.u32 v3, v4  }
0xac: {  	v4 =	vperm.xlane v3, v0;
	_ =	sdelay $0x1  }
0xad: {  	v4 =	vadd.s32 v1, v4;
	_ =	sdelay $0x3  }
0xae: {  	s17 =	simm.s32 $0x15100;
	v3 =	vperm.xlane v3, v2  }
0xaf: {  	[hbm4b:s3+s2] =	stream.indirect_vreg.scatter [tilespmem:s17], [sflag:$0x4], $0x80, v4, vm0, $0xb8;
	[tilespmem:$0x18100] =	vst v63  }
0xb0: {  	v3 =	vadd.s32 v1, v3;
	s17 =	simm.s32 $0x15900  }
0xb1: {  	[hbm4b:s5+s2] =	stream.indirect_vreg.scatter [tilespmem:s17], [sflag:$0x4], $0x80, v4, vm0, $0xb8;
	[tilespmem:$0x18100] =	vst v63  }
0xb2: {  	s17 =	simm.s32 $0x16100  }
0xb3: {  	[hbm4b:s6+s2] =	stream.indirect_vreg.scatter [tilespmem:s17], [sflag:$0x4], $0x80, v4, vm0, $0xb8;
	[tilespmem:$0x18100] =	vst v63  }
0xb4: {  	s17 =	simm.s32 $0x16900  }
0xb5: {  	[hbm4b:s3+s2] =	stream.indirect_vreg.scatter [tilespmem:s17], [sflag:$0x4], $0x80, v3, vm0, $0xb8;
	[tilespmem:$0x18100] =	vst v63  }
0xb6: {  	s17 =	simm.s32 $0x17100  }
0xb7: {  	[hbm4b:s5+s2] =	stream.indirect_vreg.scatter [tilespmem:s17], [sflag:$0x4], $0x80, v3, vm0, $0xb8;
	[tilespmem:$0x18100] =	vst v63  }
0xb8: {  	s17 =	simm.s32 $0x17900  }
0xb9: {  	[hbm4b:s6+s2] =	stream.indirect_vreg.scatter [tilespmem:s17], [sflag:$0x4], $0x80, v3, vm0, $0xb8;
	[tilespmem:$0x18100] =	vst v63  }
0xba: {  	_ =	swait.ge [sflag:s4], $0xC000  }
0xbb: {  	[sflag:s4] =	ssyncset.done $0x0  }
0xbc: {  	s17 =	rddreg [dreg:$0x5];
	[sflag:s4] =	ssyncadd.s32 $0xFFFF4000  }
0xbd: {  	[tilespmem:s11], [sflag:$0x1] =	stream.linear.gather [hbm4b:s17+s2], $0xC000, $0x38;
	[tilespmem:$0x18100] =	vst v63  }
0xbe: {  	_ =	swait.ge [sflag:s12], $0xC000  }
0xbf: {  	[sflag:s12] =	ssyncset.done $0x0  }
0xc0: {  	[sflag:s12] =	ssyncadd.s32 $0xFFFF4000  }
0xc1: {  	v3 =	vld [tilespmem:$0x80];
	_ =	sdelay $0x4  }
0xc2: {  	v56 =	vshrl.u32 v3, $0x3  }
0xc3: {  	v4 =	vmul.u32 $0x30, v56  }
0xc4: {  	v3 =	vand.u32 $0x7, v3  }
0xc5: {  	v3 =	vor.u32 v3, v4  }
0xc6: {  	v4 =	vperm.xlane v3, v0;
	_ =	sdelay $0x1  }
0xc7: {  	v4 =	vadd.s32 v1, v4;
	_ =	sdelay $0x3  }
0xc8: {  	v3 =	vperm.xlane v3, v2  }
0xc9: {  	[hbm4b:s3+s2] =	stream.indirect_vreg.scatter [tilespmem:s11], [sflag:$0x3], $0x80, v4, vm0, $0xb8;
	[tilespmem:$0x18100] =	vst v63  }
0xca: {  	v3 =	vadd.s32 v1, v3  }
0xcb: {  	[hbm4b:s5+s2] =	stream.indirect_vreg.scatter [tilespmem:s18], [sflag:$0x3], $0x80, v4, vm0, $0xb8;
	[tilespmem:$0x18100] =	vst v63  }
0xcc: {  	_ = 	snop  }
0xcd: {  	[hbm4b:s6+s2] =	stream.indirect_vreg.scatter [tilespmem:s19], [sflag:$0x3], $0x80, v4, vm0, $0xb8;
	[tilespmem:$0x18100] =	vst v63  }
0xce: {  	_ = 	snop  }
0xcf: {  	[hbm4b:s3+s2] =	stream.indirect_vreg.scatter [tilespmem:s20], [sflag:$0x3], $0x80, v3, vm0, $0xb8;
	[tilespmem:$0x18100] =	vst v63  }
0xd0: {  	_ = 	snop  }
0xd1: {  	[hbm4b:s5+s2] =	stream.indirect_vreg.scatter [tilespmem:s21], [sflag:$0x3], $0x80, v3, vm0, $0xb8;
	[tilespmem:$0x18100] =	vst v63  }
0xd2: {  	_ = 	snop  }
0xd3: {  	[hbm4b:s6+s2] =	stream.indirect_vreg.scatter [tilespmem:s22], [sflag:$0x3], $0x80, v3, vm0, $0xb8;
	[tilespmem:$0x18100] =	vst v63  }
0xd4: {  	v3 =	vld [tilespmem:$0x90];
	_ =	sdelay $0x4  }
0xd5: {  	v57 =	vshrl.u32 v3, $0x3  }
0xd6: {  	v4 =	vmul.u32 $0x30, v57  }
0xd7: {  	v3 =	vand.u32 $0x7, v3  }
0xd8: {  	v3 =	vor.u32 v3, v4  }
0xd9: {  	v4 =	vperm.xlane v3, v0;
	_ =	sdelay $0x1  }
0xda: {  	v4 =	vadd.s32 v1, v4;
	_ =	sdelay $0x3  }
0xdb: {  	v3 =	vperm.xlane v3, v2  }
0xdc: {  	[hbm4b:s3+s2] =	stream.indirect_vreg.scatter [tilespmem:s23], [sflag:$0x3], $0x80, v4, vm0, $0xb8;
	[tilespmem:$0x18100] =	vst v63  }
0xdd: {  	v3 =	vadd.s32 v1, v3  }
0xde: {  	[hbm4b:s5+s2] =	stream.indirect_vreg.scatter [tilespmem:s24], [sflag:$0x3], $0x80, v4, vm0, $0xb8;
	[tilespmem:$0x18100] =	vst v63  }
0xdf: {  	_ = 	snop  }
0xe0: {  	[hbm4b:s6+s2] =	stream.indirect_vreg.scatter [tilespmem:s25], [sflag:$0x3], $0x80, v4, vm0, $0xb8;
	[tilespmem:$0x18100] =	vst v63  }
0xe1: {  	_ = 	snop  }
0xe2: {  	[hbm4b:s3+s2] =	stream.indirect_vreg.scatter [tilespmem:s26], [sflag:$0x3], $0x80, v3, vm0, $0xb8;
	[tilespmem:$0x18100] =	vst v63  }
0xe3: {  	_ = 	snop  }
0xe4: {  	[hbm4b:s5+s2] =	stream.indirect_vreg.scatter [tilespmem:s28], [sflag:$0x3], $0x80, v3, vm0, $0xb8;
	[tilespmem:$0x18100] =	vst v63  }
0xe5: {  	_ = 	snop  }
0xe6: {  	[hbm4b:s6+s2] =	stream.indirect_vreg.scatter [tilespmem:s29], [sflag:$0x3], $0x80, v3, vm0, $0xb8;
	[tilespmem:$0x18100] =	vst v63  }
0xe7: {  	v3 =	vld [tilespmem:$0xA0];
	_ =	sdelay $0x4  }
0xe8: {  	v58 =	vshrl.u32 v3, $0x3  }
0xe9: {  	v4 =	vmul.u32 $0x30, v58  }
0xea: {  	v3 =	vand.u32 $0x7, v3  }
0xeb: {  	v3 =	vor.u32 v3, v4  }
0xec: {  	v4 =	vperm.xlane v3, v0;
	_ =	sdelay $0x1  }
0xed: {  	v4 =	vadd.s32 v1, v4;
	_ =	sdelay $0x3  }
0xee: {  	v3 =	vperm.xlane v3, v2  }
0xef: {  	[hbm4b:s3+s2] =	stream.indirect_vreg.scatter [tilespmem:s30], [sflag:$0x3], $0x80, v4, vm0, $0xb8;
	[tilespmem:$0x18100] =	vst v63  }
0xf0: {  	v3 =	vadd.s32 v1, v3  }
0xf1: {  	[hbm4b:s5+s2] =	stream.indirect_vreg.scatter [tilespmem:s31], [sflag:$0x3], $0x80, v4, vm0, $0xb8;
	[tilespmem:$0x18100] =	vst v63  }
0xf2: {  	s17 =	simm.s32 $0x7100  }
0xf3: {  	[hbm4b:s6+s2] =	stream.indirect_vreg.scatter [tilespmem:s17], [sflag:$0x3], $0x80, v4, vm0, $0xb8;
	[tilespmem:$0x18100] =	vst v63  }
0xf4: {  	s17 =	simm.s32 $0x7900  }
0xf5: {  	[hbm4b:s3+s2] =	stream.indirect_vreg.scatter [tilespmem:s17], [sflag:$0x3], $0x80, v3, vm0, $0xb8;
	[tilespmem:$0x18100] =	vst v63  }
0xf6: {  	s17 =	simm.s32 $0x8100  }
0xf7: {  	[hbm4b:s5+s2] =	stream.indirect_vreg.scatter [tilespmem:s17], [sflag:$0x3], $0x80, v3, vm0, $0xb8;
	[tilespmem:$0x18100] =	vst v63  }
0xf8: {  	_ = 	snop  }
0xf9: {  	[hbm4b:s6+s2] =	stream.indirect_vreg.scatter [tilespmem:s13], [sflag:$0x3], $0x80, v3, vm0, $0xb8;
	[tilespmem:$0x18100] =	vst v63  }
0xfa: {  	v3 =	vld [tilespmem:$0xB0];
	_ =	sdelay $0x4  }
0xfb: {  	v59 =	vshrl.u32 v3, $0x3  }
0xfc: {  	v4 =	vmul.u32 $0x30, v59  }
0xfd: {  	v3 =	vand.u32 $0x7, v3  }
0xfe: {  	v3 =	vor.u32 v3, v4  }
0xff: {  	v4 =	vperm.xlane v3, v0;
	_ =	sdelay $0x1  }
0x100: {  	v4 =	vadd.s32 v1, v4;
	_ =	sdelay $0x3  }
0x101: {  	v3 =	vperm.xlane v3, v2  }
0x102: {  	[hbm4b:s3+s2] =	stream.indirect_vreg.scatter [tilespmem:s14], [sflag:$0x3], $0x80, v4, vm0, $0xb8;
	[tilespmem:$0x18100] =	vst v63  }
0x103: {  	v3 =	vadd.s32 v1, v3  }
0x104: {  	[hbm4b:s5+s2] =	stream.indirect_vreg.scatter [tilespmem:s8], [sflag:$0x3], $0x80, v4, vm0, $0xb8;
	[tilespmem:$0x18100] =	vst v63  }
0x105: {  	_ = 	snop  }
0x106: {  	[hbm4b:s6+s2] =	stream.indirect_vreg.scatter [tilespmem:s9], [sflag:$0x3], $0x80, v4, vm0, $0xb8;
	[tilespmem:$0x18100] =	vst v63  }
0x107: {  	_ = 	snop  }
0x108: {  	[hbm4b:s3+s2] =	stream.indirect_vreg.scatter [tilespmem:s10], [sflag:$0x3], $0x80, v3, vm0, $0xb8;
	[tilespmem:$0x18100] =	vst v63  }
0x109: {  	s17 =	simm.s32 $0xB100  }
0x10a: {  	[hbm4b:s5+s2] =	stream.indirect_vreg.scatter [tilespmem:s17], [sflag:$0x3], $0x80, v3, vm0, $0xb8;
	[tilespmem:$0x18100] =	vst v63  }
0x10b: {  	_ = 	snop  }
0x10c: {  	[hbm4b:s6+s2] =	stream.indirect_vreg.scatter [tilespmem:s1], [sflag:$0x3], $0x80, v3, vm0, $0xb8;
	[tilespmem:$0x18100] =	vst v63  }
0x10d: {  	_ =	swait.ge [sflag:s16], $0xC000  }
0x10e: {  	[sflag:s16] =	ssyncset.done $0x0  }
0x10f: {  	s8 =	rddreg [dreg:$0x6];
	[sflag:s16] =	ssyncadd.s32 $0xFFFF4000  }
0x110: {  	[tilespmem:s0], [sflag:$0x2] =	stream.linear.gather [hbm4b:s8+s2], $0xC000, $0x38;
	[tilespmem:$0x18100] =	vst v63  }
0x111: {  	_ =	swait.ge [sflag:s15], $0xC000  }
0x112: {  	[sflag:s15] =	ssyncset.done $0x0  }
0x113: {  	[sflag:s15] =	ssyncadd.s32 $0xFFFF4000  }
0x114: {  	v3 =	vld [tilespmem:$0xC0];
	_ =	sdelay $0x4  }
0x115: {  	v60 =	vshrl.u32 v3, $0x3  }
0x116: {  	v4 =	vmul.u32 $0x30, v60  }
0x117: {  	v3 =	vand.u32 $0x7, v3  }
0x118: {  	v3 =	vor.u32 v3, v4  }
0x119: {  	v4 =	vperm.xlane v3, v0;
	_ =	sdelay $0x1  }
0x11a: {  	v4 =	vadd.s32 v1, v4;
	_ =	sdelay $0x3  }
0x11b: {  	v3 =	vperm.xlane v3, v2  }
0x11c: {  	[hbm4b:s3+s2] =	stream.indirect_vreg.scatter [tilespmem:s0], [sflag:$0x4], $0x80, v4, vm0, $0xb8;
	[tilespmem:$0x18100] =	vst v63  }
0x11d: {  	s11 =	simm.s32 $0xC900;
	v3 =	vadd.s32 v1, v3  }
0x11e: {  	[hbm4b:s5+s2] =	stream.indirect_vreg.scatter [tilespmem:s11], [sflag:$0x4], $0x80, v4, vm0, $0xb8;
	[tilespmem:$0x18100] =	vst v63  }
0x11f: {  	s17 =	simm.s32 $0xD100  }
0x120: {  	[hbm4b:s6+s2] =	stream.indirect_vreg.scatter [tilespmem:s17], [sflag:$0x4], $0x80, v4, vm0, $0xb8;
	[tilespmem:$0x18100] =	vst v63  }
0x121: {  	s8 =	simm.s32 $0xD900  }
0x122: {  	[hbm4b:s3+s2] =	stream.indirect_vreg.scatter [tilespmem:s8], [sflag:$0x4], $0x80, v3, vm0, $0xb8;
	[tilespmem:$0x18100] =	vst v63  }
0x123: {  	s11 =	simm.s32 $0xE100  }
0x124: {  	[hbm4b:s5+s2] =	stream.indirect_vreg.scatter [tilespmem:s11], [sflag:$0x4], $0x80, v3, vm0, $0xb8;
	[tilespmem:$0x18100] =	vst v63  }
0x125: {  	s17 =	simm.s32 $0xE900  }
0x126: {  	[hbm4b:s6+s2] =	stream.indirect_vreg.scatter [tilespmem:s17], [sflag:$0x4], $0x80, v3, vm0, $0xb8;
	[tilespmem:$0x18100] =	vst v63  }
0x127: {  	v3 =	vld [tilespmem:$0xD0];
	_ =	sdelay $0x4  }
0x128: {  	v61 =	vshrl.u32 v3, $0x3  }
0x129: {  	v4 =	vmul.u32 $0x30, v61  }
0x12a: {  	v3 =	vand.u32 $0x7, v3  }
0x12b: {  	v3 =	vor.u32 v3, v4  }
0x12c: {  	v4 =	vperm.xlane v3, v0;
	_ =	sdelay $0x1  }
0x12d: {  	v4 =	vadd.s32 v1, v4;
	_ =	sdelay $0x3  }
0x12e: {  	s8 =	simm.s32 $0xF100;
	v3 =	vperm.xlane v3, v2  }
0x12f: {  	[hbm4b:s3+s2] =	stream.indirect_vreg.scatter [tilespmem:s8], [sflag:$0x4], $0x80, v4, vm0, $0xb8;
	[tilespmem:$0x18100] =	vst v63  }
0x130: {  	s11 =	simm.s32 $0xF900;
	v3 =	vadd.s32 v1, v3  }
0x131: {  	[hbm4b:s5+s2] =	stream.indirect_vreg.scatter [tilespmem:s11], [sflag:$0x4], $0x80, v4, vm0, $0xb8;
	[tilespmem:$0x18100] =	vst v63  }
0x132: {  	s17 =	simm.s32 $0x10100  }
0x133: {  	[hbm4b:s6+s2] =	stream.indirect_vreg.scatter [tilespmem:s17], [sflag:$0x4], $0x80, v4, vm0, $0xb8;
	[tilespmem:$0x18100] =	vst v63  }
0x134: {  	s8 =	simm.s32 $0x10900  }
0x135: {  	[hbm4b:s3+s2] =	stream.indirect_vreg.scatter [tilespmem:s8], [sflag:$0x4], $0x80, v3, vm0, $0xb8;
	[tilespmem:$0x18100] =	vst v63  }
0x136: {  	s11 =	simm.s32 $0x11100  }
0x137: {  	[hbm4b:s5+s2] =	stream.indirect_vreg.scatter [tilespmem:s11], [sflag:$0x4], $0x80, v3, vm0, $0xb8;
	[tilespmem:$0x18100] =	vst v63  }
0x138: {  	s17 =	simm.s32 $0x11900  }
0x139: {  	[hbm4b:s6+s2] =	stream.indirect_vreg.scatter [tilespmem:s17], [sflag:$0x4], $0x80, v3, vm0, $0xb8;
	[tilespmem:$0x18100] =	vst v63  }
0x13a: {  	v3 =	vld [tilespmem:$0xE0];
	_ =	sdelay $0x4  }
0x13b: {  	v62 =	vshrl.u32 v3, $0x3  }
0x13c: {  	v4 =	vmul.u32 $0x30, v62  }
0x13d: {  	v3 =	vand.u32 $0x7, v3  }
0x13e: {  	v3 =	vor.u32 v3, v4  }
0x13f: {  	v4 =	vperm.xlane v3, v0;
	_ =	sdelay $0x1  }
0x140: {  	v4 =	vadd.s32 v1, v4;
	_ =	sdelay $0x3  }
0x141: {  	s8 =	simm.s32 $0x12100;
	v3 =	vperm.xlane v3, v2  }
0x142: {  	[hbm4b:s3+s2] =	stream.indirect_vreg.scatter [tilespmem:s8], [sflag:$0x4], $0x80, v4, vm0, $0xb8;
	[tilespmem:$0x18100] =	vst v63  }
0x143: {  	s11 =	simm.s32 $0x12900;
	v3 =	vadd.s32 v1, v3  }
0x144: {  	[hbm4b:s5+s2] =	stream.indirect_vreg.scatter [tilespmem:s11], [sflag:$0x4], $0x80, v4, vm0, $0xb8;
	[tilespmem:$0x18100] =	vst v63  }
0x145: {  	s17 =	simm.s32 $0x13100  }
0x146: {  	[hbm4b:s6+s2] =	stream.indirect_vreg.scatter [tilespmem:s17], [sflag:$0x4], $0x80, v4, vm0, $0xb8;
	[tilespmem:$0x18100] =	vst v63  }
0x147: {  	s8 =	simm.s32 $0x13900  }
0x148: {  	[hbm4b:s3+s2] =	stream.indirect_vreg.scatter [tilespmem:s8], [sflag:$0x4], $0x80, v3, vm0, $0xb8;
	[tilespmem:$0x18100] =	vst v63  }
0x149: {  	s11 =	simm.s32 $0x14100  }
0x14a: {  	[hbm4b:s5+s2] =	stream.indirect_vreg.scatter [tilespmem:s11], [sflag:$0x4], $0x80, v3, vm0, $0xb8;
	[tilespmem:$0x18100] =	vst v63  }
0x14b: {  	s17 =	simm.s32 $0x14900  }
0x14c: {  	[hbm4b:s6+s2] =	stream.indirect_vreg.scatter [tilespmem:s17], [sflag:$0x4], $0x80, v3, vm0, $0xb8;
	[tilespmem:$0x18100] =	vst v63  }
0x14d: {  	v3 =	vld [tilespmem:$0xF0];
	_ =	sdelay $0x4  }
0x14e: {  	v63 =	vshrl.u32 v3, $0x3  }
0x14f: {  	v4 =	vmul.u32 $0x30, v63  }
0x150: {  	v3 =	vand.u32 $0x7, v3  }
0x151: {  	v3 =	vor.u32 v3, v4  }
0x152: {  	v4 =	vperm.xlane v3, v0;
	_ =	sdelay $0x1  }
0x153: {  	v4 =	vadd.s32 v1, v4;
	_ =	sdelay $0x3  }
0x154: {  	s8 =	simm.s32 $0x15100;
	v3 =	vperm.xlane v3, v2  }
0x155: {  	[hbm4b:s3+s2] =	stream.indirect_vreg.scatter [tilespmem:s8], [sflag:$0x4], $0x80, v4, vm0, $0xb8;
	[tilespmem:$0x18100] =	vst v63  }
0x156: {  	s11 =	simm.s32 $0x15900;
	v3 =	vadd.s32 v1, v3  }
0x157: {  	[hbm4b:s5+s2] =	stream.indirect_vreg.scatter [tilespmem:s11], [sflag:$0x4], $0x80, v4, vm0, $0xb8;
	[tilespmem:$0x18100] =	vst v63  }
0x158: {  	s17 =	simm.s32 $0x16100  }
0x159: {  	[hbm4b:s6+s2] =	stream.indirect_vreg.scatter [tilespmem:s17], [sflag:$0x4], $0x80, v4, vm0, $0xb8;
	[tilespmem:$0x18100] =	vst v63  }
0x15a: {  	s8 =	simm.s32 $0x16900  }
0x15b: {  	[hbm4b:s3+s2] =	stream.indirect_vreg.scatter [tilespmem:s8], [sflag:$0x4], $0x80, v3, vm0, $0xb8;
	[tilespmem:$0x18100] =	vst v63  }
0x15c: {  	s11 =	simm.s32 $0x17100  }
0x15d: {  	[hbm4b:s5+s2] =	stream.indirect_vreg.scatter [tilespmem:s11], [sflag:$0x4], $0x80, v3, vm0, $0xb8;
	[tilespmem:$0x18100] =	vst v63  }
0x15e: {  	s17 =	simm.s32 $0x17900  }
0x15f: {  	[hbm4b:s6+s2] =	stream.indirect_vreg.scatter [tilespmem:s17], [sflag:$0x4], $0x80, v3, vm0, $0xb8;
	[tilespmem:$0x18100] =	vst v63  }
0x160: {  	p0 =	sne.s32 s7, $0x1;
	_ =	swait.ge [sflag:s4], $0xC000  }
.Ltmp0:
0x161: {  	[sflag:s4] =	ssyncset.done $0x0;
	(pc) =	sbr.rel @p0 .LBB2_1-.Ltmp0, $4  }
0x162: {  	[sflag:s4] =	ssyncadd.s32 $0xFFFF4000  }
0x163: {  	_ =	swait.ge [sflag:s16], $0xC000  }
0x164: {  	[sflag:s16] =	ssyncset.done $0x0  }
0x165: {  	s7 =	sadd.s32 $0xFFFFFFFF, s7;
	[sflag:s16] =	ssyncadd.s32 $0xFFFF4000  }
0x166: {  	_ =	sfence.sel $0x180000  }
0x167: {  	[bflag:$0x0] =	sbarrier.arrive $0xFFFF  }
0x168: {  	_ =	strace $0x90000047  }
0x169: {  	s0 =	stileid.u32;
	[bflag:$0x2] =	sbarrier.arrive $0xFFFF  }
0x16a: {  	p0 =	sne.s32 s0, $0x0;
	s0 =	rddreg [dreg:$0x2]  }
0x16b: {  	s0 =	sadd.s32 @!p0 $0x100000, s0  }
0x16c: {  	[sflag:s0] =	ssyncadd.tile.s32 @!p0 $0x1;
	_ =	shalt  }
.Lfunc_end2:
_tile_overlayer_lowered:
.L_overlay_start_2:
0x16d: {  	(tag) =	ssettag $0x2  }
0x16e: {  	s0 =	rddreg [dreg:$0x0];
	s2 =	stileid.u32  }
0x16f: {  	s1 =	rddreg [dreg:$0x1];
	p0 =	sne.s32 s2, $0x0  }
0x170: {  	s3 =	rddreg [dreg:$0x2];
	[bflag:$0x3] =	sbarrier.arrive $0xFFFF;
	s2 =	simm.s32 @!p0 $0x1C05  }
0x171: {  	[timem:s3], [sflag:s2] =	dma.local @!p0 [hbm:s0], s1  }
0x172: {  	s0 =	simm.s32 @!p0 $0x5  }
0x173: {  	_ =	swait.ge @!p0 [sflag:s0], s1  }
0x174: {  	s1 =	ssub.s32 @!p0 $0x0, s1;
	[sflag:s0] =	ssyncset.done @!p0 $0x0  }
0x175: {  	[sflag:s0] =	ssyncadd.s32 @!p0 s1  }
0x176: {  	[bflag:$0x3] =	sbarrier.arrive $0xFFFF  }
0x177: {  	_ =	shalt  }

// kernel: kernel.9.cloned.1.call-start
scs
__scs_entry_jumppad:
0x0: {  	(pc) =	sbr.rel $0x88, $3  }
0x1: {  	(tag) =	ssettag $0x0;
	lr =	simm.s32 $0x1  }
0x2: {  	[smem:$0x3F9C] =	sst lr;
	_ =	strace $0xD0000000  }
0x3: {  	_ = 	snop  }
0x4: {  	_ = 	snop  }
0x5: {  	_ = 	snop  }
0x6: {  	_ = 	snop  }
0x7: {  	_ = 	snop  }
__scs_overlays_trampoline_lowered:
0x8: {  	[smem:$0x3FAB] =	sst s0  }
0x9: {  	[smem:$0x3FAC] =	sst s1  }
0xa: {  	[smem:$0x3FAD] =	sst s2  }
0xb: {  	[smem:$0x3FAE] =	sst s3  }
0xc: {  	[smem:$0x3FAF] =	sst s4  }
0xd: {  	[smem:$0x3FB0] =	sst s5  }
0xe: {  	[smem:$0x3FB1] =	sst s6  }
0xf: {  	[smem:$0x3FB2] =	sst s7  }
0x10: {  	[smem:$0x3FB3] =	sst s8  }
0x11: {  	[smem:$0x3FB4] =	sst s9;
	s0 =	simm.s32 @!p0 $0x0  }
0x12: {  	s1 =	sld [smem:$0x3F9A];
	s0 =	simm.s32 @p0 $0x1  }
0x13: {  	[smem:$0x3FB5] =	sst s0;
	s0 =	simm.s32 @!p1 $0x0  }
0x14: {  	s2 =	sld [smem:$0x3F99];
	s0 =	simm.s32 @p1 $0x1  }
0x15: {  	[smem:$0x3FB6] =	sst s0;
	s0 =	simm.s32 @!p2 $0x0  }
0x16: {  	s3 =	sld [smem:$0x3FDB];
	s0 =	simm.s32 @p2 $0x1  }
0x17: {  	s4 =	simm.s32 $0x1BF5;
	[smem:$0x3FB8] =	sst s0  }
0x18: {  	s0 =	sld [smem:$0x3F9B];
	_ =	swait.ge [sflag:s4], $0x0  }
0x19: {  	s7 =	sld [smem:$0x3F9C]  }
0x1a: {  	s8 =	sadd.s32 $0xFFFFE003, lr  }
0x1b: {  	s9 =	sadd.s32 $0xFFFFFEF7, lr;
	s5 =	simm.s32 $0xFFFFFFFF;
	p2 =	slt.u32 s8, $0xFFFFF086  }
0x1c: {  	p1 =	slt.u32 s9, $0xF7A;
	s5 =	simm.s32 @!p2 $0x0  }
0x1d: {  	s5 =	simm.s32 @p1 $0x1;
	p0 =	seq.s32 s7, s2  }
0x1e: {  	s7 =	smul.u32 @!p0 $0xF7A, s2;
	p2 =	seq.s32 @!p0 s5, $0x0  }
0x1f: {  	s9 =	smul.u32 $0xF7A, s1;
	s8 =	simm.s32 @!p0 $0x1BF5;
	p2 =	por !p2, p0  }
0x20: {  	[sflag:s8] =	ssyncset.s32 @!p0 $0xFFFFF086;
	s6 =	sadd.s32 @!p0 s3, s7;
	s7 =	simm.s32 @!p0 $0x108  }
0x21: {  	s3 =	sadd.s32 s3, s9;
	s6 =	sadd.s32 @!p0 $0x88, s6;
	s7 =	simm.s32 @p2 $0x1082  }
0x22: {  	[simem:s7], [sflag:s8] =	dma.local @!p0 [hbm:s6], $0xF7A  }
0x23: {  	s9 =	sor.u32 $0xD0000000, s2;
	s6 =	simm.s32 $0x108;
	_ =	swait.ge @!p0 [sflag:s8], $0x0  }
0x24: {  	s3 =	sadd.s32 $0x88, s3;
	s6 =	simm.s32 @!p1 $0x1082;
	[sflag:s4] =	ssyncset.s32 $0xFFFFF086  }
0x25: {  	[simem:s6], [sflag:s4] =	dma.local [hbm:s3], $0xF7A  }
0x26: {  	[smem:$0x3F9C] =	sst s1;
	(tag) =	ssettag s2;
	_ =	strace s9  }
0x27: {  	s1 =	sld [smem:$0x3FAC]  }
0x28: {  	s2 =	sld [smem:$0x3FAD]  }
0x29: {  	s4 =	sld [smem:$0x3FAF]  }
0x2a: {  	p0 =	seq.s32 s5, $0x0;
	s5 =	sld [smem:$0x3FB0]  }
0x2b: {  	s6 =	sld [smem:$0x3FB1]  }
0x2c: {  	s7 =	sld [smem:$0x3FB2]  }
0x2d: {  	s3 =	simm.s32 $0x108;
	s8 =	sld [smem:$0x3FB3]  }
0x2e: {  	s3 =	simm.s32 @!p0 $0x1082;
	s9 =	sld [smem:$0x3FB4]  }
0x2f: {  	lr =	sadd.s32 s0, s3;
	s0 =	sld [smem:$0x3FAB]  }
0x30: {  	s3 =	sld [smem:$0x3FAE]  }
0x31: {  	[smem:$0x3FB7] =	sst s10  }
0x32: {  	s10 =	sld [smem:$0x3FB5];
	_ =	sdelay $0x3  }
0x33: {  	p0 =	seq.s32 s10, $0x1;
	s10 =	sld [smem:$0x3FB7];
	_ =	sdelay $0x3  }
0x34: {  	[smem:$0x3FB7] =	sst s10  }
0x35: {  	s10 =	sld [smem:$0x3FB6];
	_ =	sdelay $0x3  }
0x36: {  	p1 =	seq.s32 s10, $0x1;
	s10 =	sld [smem:$0x3FB7];
	_ =	sdelay $0x3  }
0x37: {  	[smem:$0x3FB7] =	sst s10  }
0x38: {  	s10 =	sld [smem:$0x3FB8]  }
0x39: {  	_ = 	snop;
	(pc) =	sbr.ind lr, $3  }
0x3a: {  	_ = 	snop  }
0x3b: {  	_ = 	snop  }
0x3c: {  	p2 =	seq.s32 s10, $0x1;
	s10 =	sld [smem:$0x3FB7]  }
0x3d: {  	_ =	shalt  }
0x3e: {  	_ =	shalt  }
0x3f: {  	_ =	shalt  }
0x40: {  	_ =	shalt  }
0x41: {  	_ =	shalt  }
0x42: {  	_ =	shalt  }
0x43: {  	_ =	shalt  }
0x44: {  	_ =	shalt  }
0x45: {  	_ =	shalt  }
0x46: {  	_ =	shalt  }
0x47: {  	_ =	shalt  }
0x48: {  	_ =	shalt  }
0x49: {  	_ =	shalt  }
0x4a: {  	_ =	shalt  }
0x4b: {  	_ =	shalt  }
0x4c: {  	_ =	shalt  }
0x4d: {  	_ =	shalt  }
0x4e: {  	_ =	shalt  }
0x4f: {  	_ =	shalt  }
0x50: {  	_ =	shalt  }
0x51: {  	_ =	shalt  }
0x52: {  	_ =	shalt  }
0x53: {  	_ =	shalt  }
0x54: {  	_ =	shalt  }
0x55: {  	_ =	shalt  }
0x56: {  	_ =	shalt  }
0x57: {  	_ =	shalt  }
0x58: {  	_ =	shalt  }
0x59: {  	_ =	shalt  }
0x5a: {  	_ =	shalt  }
0x5b: {  	_ =	shalt  }
0x5c: {  	_ =	shalt  }
0x5d: {  	_ =	shalt  }
0x5e: {  	_ =	shalt  }
0x5f: {  	_ =	shalt  }
0x60: {  	_ =	shalt  }
0x61: {  	_ =	shalt  }
0x62: {  	_ =	shalt  }
0x63: {  	_ =	shalt  }
0x64: {  	_ =	shalt  }
0x65: {  	_ =	shalt  }
0x66: {  	_ =	shalt  }
0x67: {  	_ =	shalt  }
0x68: {  	_ =	shalt  }
0x69: {  	_ =	shalt  }
0x6a: {  	_ =	shalt  }
0x6b: {  	_ =	shalt  }
0x6c: {  	_ =	shalt  }
0x6d: {  	_ =	shalt  }
0x6e: {  	_ =	shalt  }
0x6f: {  	_ =	shalt  }
0x70: {  	_ =	shalt  }
0x71: {  	_ =	shalt  }
0x72: {  	_ =	shalt  }
0x73: {  	_ =	shalt  }
0x74: {  	_ =	shalt  }
0x75: {  	_ =	shalt  }
0x76: {  	_ =	shalt  }
0x77: {  	_ =	shalt  }
0x78: {  	_ =	shalt  }
0x79: {  	_ =	shalt  }
0x7a: {  	_ =	shalt  }
0x7b: {  	_ =	shalt  }
0x7c: {  	_ =	shalt  }
0x7d: {  	_ =	shalt  }
0x7e: {  	_ =	shalt  }
0x7f: {  	_ =	shalt  }
0x80: {  	_ =	shalt  }
0x81: {  	_ =	shalt  }
0x82: {  	_ =	shalt  }
0x83: {  	_ =	shalt  }
0x84: {  	_ =	shalt  }
0x85: {  	_ =	shalt  }
0x86: {  	_ =	shalt  }
0x87: {  	_ =	shalt  }
.Lfunc_end0:
.L_simem_size_0:
called_computation.1_lowered:
.L_overlay_start_0:
0x88: {  	s2 =	sld [smem:$0x3FD9]  }
0x89: {  	s3 =	sld [smem:$0x3FFE];
	_ =	sdelay $0x1  }
0x8a: {  	s1 =	srdreg.scid  }
0x8b: {  	s0 =	sand.u32 $0x1, s1  }
0x8c: {  	s14 =	sshll.u32 s0, $0xA;
	s2 =	sadd.s32 s3, s2  }
0x8d: {  	s2 =	sadd.s32 s2, s14  }
0x8e: {  	[smem:$0x3FC3] =	sst s2  }
0x8f: {  	_ = 	snop  }
0x90: {  	s2 =	sld [smem:$0x3FD0];
	_ =	sdelay $0x2  }
0x91: {  	s15 =	simm.s32 $0xA;
	s4 =	simm.s32 $0x10  }
0x92: {  	[smem:s4], [sflag:s15] =	dma.local [hbm:s2], $0x1  }
0x93: {  	_ =	swait.eq [sflag:s15], $0x1  }
0x94: {  	[sflag:s15] =	ssyncset.done $0x0  }
0x95: {  	[sflag:s15] =	ssyncadd.s32 $0xFFFFFFFF  }
0x96: {  	s16 =	sld [smem:$0x10];
	(tm) =	ssettm $0x1  }
0x97: {  	s17 =	sld [smem:$0x3FFB];
	_ =	sdelay $0x3  }
0x98: {  	_ =	strace s17  }
0x99: {  	s3 =	sld [smem:$0x3FFC];
	_ =	sdelay $0x3  }
0x9a: {  	_ =	strace s3  }
0x9b: {  	s3 =	sld [smem:$0x3FFD];
	_ =	sdelay $0x3  }
0x9c: {  	_ =	strace s3  }
0x9d: {  	_ =	strace $0x8FFFFFFF  }
0x9e: {  	s18 =	sld [smem:$0x3FDB];
	_ =	sdelay $0x1  }
0x9f: {  	s19 =	simm.s32 $_scs_section_size  }
0xa0: {  	s5 =	simm.s32 $_size__tile_overlayer_lowered;
	s6 =	simm.s32 $_tile_overlayer_lowered  }
0xa1: {  	s22 =	simm.s32 $0x1BFF;
	s21 =	sshll.u32 s6, $0x1;
	s3 =	sadd.s32 s19, s18  }
0xa2: {  	s7 =	simm.s32 $0x0;
	s20 =	sshll.u32 s5, $0x1;
	s5 =	sadd.s32 s21, s3  }
0xa3: {  	[timem:s7], [sflag:s22] =	dma.local [hbm:s5], s20  }
0xa4: {  	_ =	swait.ge [sflag:s22], s20  }
0xa5: {  	s4 =	ssub.s32 $0x0, s20;
	[sflag:s22] =	ssyncset.done $0x0  }
0xa6: {  	[sflag:s22] =	ssyncadd.s32 s4;
	_ =	sdelay $0x1  }
0xa7: {  	s23 =	simm.s32 $0x1B8B  }
0xa8: {  	_ =	swait.ge [sflag:s23], $0x1  }
0xa9: {  	[sflag:s23] =	ssyncset.done $0x0  }
0xaa: {  	s25 =	simm.s32 $0x1B8E;
	s24 =	sld [smem:$0x3FFE];
	[sflag:s23] =	ssyncadd.s32 $0xFFFFFFFF  }
0xab: {  	s26 =	simm.s32 $execute0_lowered;
	[smem:$0x3FD2] =	sst s25  }
0xac: {  	s5 =	sshll.u32 s26, $0x1;
	_ =	strace $0x80000049;
	[dreg:$0x1] =	wrdreg $0xFFFFFFFF  }
0xad: {  	s28 =	simm.s32 $_size_execute0_lowered;
	s3 =	sadd.s32 s3, s5;
	[dreg:$0x0] =	wrdreg $0x0  }
0xae: {  	s5 =	sshll.u32 s28, $0x1;
	[dreg:$0x2] =	wrdreg s3  }
0xaf: {  	[dreg:$0x3] =	wrdreg s5  }
0xb0: {  	[dreg:$0x4] =	wrdreg $0xC0  }
0xb1: {  	_ =	task [dreg:s7], $0x5FFFF  }
0xb2: {  	[dreg:$0x1] =	wrdreg $0xFFFFFFFF  }
0xb3: {  	[dreg:$0x0] =	wrdreg $0x60  }
0xb4: {  	[dreg:$0x2] =	wrdreg s24  }
0xb5: {  	[dreg:$0x3] =	wrdreg s16  }
0xb6: {  	[dreg:$0x4] =	wrdreg $0x9  }
0xb7: {  	_ =	task.clear_ibuf [dreg:s7], $0x5FFFF;
	_ =	strace $0x90000049  }
0xb8: {  	s29 =	simm.s32 $0x9;
	_ =	strace $0x8000004B  }
0xb9: {  	_ =	swait.ge [sflag:s29], $0x1  }
0xba: {  	[sflag:s29] =	ssyncadd.s32 $0xFFFFFFFF  }
0xbb: {  	_ =	strace $0x9000004B  }
0xbc: {  	_ =	sfence  }
0xbd: {  	s30 =	sld [smem:$0x0];
	_ =	sdelay $0x2  }
0xbe: {  	s31 =	sshll.u32 s1, $0xD;
	s1 =	sshrl.u32 s1, $0x2  }
0xbf: {  	s3 =	sand.u32 $0x4000, s31;
	s1 =	sadd.s32 s1, s30  }
0xc0: {  	s0 =	sor.u32 s3, s0;
	s1 =	sshll.u32 s1, $0x11  }
0xc1: {  	s0 =	sor.u32 s1, s0  }
0xc2: {  	s0 =	sadd.s32 $0x8F2B, s0  }
0xc3: {  	[sflag:s0] =	ssyncadd.remote.s32 $0x1  }
0xc4: {  	_ =	sfence.sel $0xFFFF  }
0xc5: {  	[dreg:$0x0] =	wrdreg $0xFFFFFFFF;
	(pc) =	sbr.abs _section_cstart, $3  }
0xc6: {  	[dreg:$0x1] =	wrdreg $0xFFFFFFFF  }
0xc7: {  	_ =	task.clear_ibuf [dreg:s7], $0x2FFFF;
	_ =	strace $0x9FFFFFFF  }
0xc8: {  	(tm) =	ssettm $0x7FFFFFFF  }
0xc9: {  	_ =	shalt  }
tec
execute0_lowered:
.L_overlay_start_1:
0x0: {  	(tag) =	ssettag $0x1  }
0x1: {  	s0 =	srdreg.scid;
	s1 =	rddreg [dreg:$0x0]  }
0x2: {  	s2 =	stileid.u32;
	s4 =	rddreg [dreg:$0x1]  }
0x3: {  	s13 =	simm.s32 $0x3;
	s14 =	simm.s32 $0x4;
	s16 =	simm.s32 $0x900  }
0x4: {  	s17 =	simm.s32 $0x1100;
	s18 =	simm.s32 $0x1900;
	s19 =	simm.s32 $0x2100  }
0x5: {  	s20 =	simm.s32 $0x2900;
	s21 =	simm.s32 $0x3100;
	s22 =	simm.s32 $0x3900  }
0x6: {  	s28 =	simm.s32 $0x6100;
	s29 =	simm.s32 $0x6900;
	s30 =	simm.s32 $0x7100  }
0x7: {  	s31 =	simm.s32 $0x7900;
	s11 =	simm.s32 $0x9100;
	s9 =	simm.s32 $0xA100  }
0x8: {  	s0 =	sand.u32 $0x1, s0;
	s5 =	sshll.u32 s2, $0x5;
	s2 =	simm.s32 $0x0  }
0x9: {  	s10 =	simm.s32 $0xB100;
	s3 =	sshll.u32 s0, $0x9;
	[smem:$0x7FF] =	sst s2  }
0xa: {  	s0 =	ssub.s32 $0x2, s0;
	s5 =	sor.u32 s5, s3;
	_ =	strace $0x8000004A  }
0xb: {  	s3 =	sadd.s32 $0xEB000, s1;
	s25 =	sshrl.u32 s0, $0x1;
	s6 =	smul.u32 $0x300, s5  }
0xc: {  	s7 =	smul.u32 $0x1800, s5;
	s5 =	sadd.s32 s5, s1;
	s0 =	ssub.s32 s0, s25  }
0xd: {  	s25 =	simm.s32 $0x5100;
	s5 =	sadd.s32 $0xC00, s5;
	s8 =	sadd.s32 s4, s6  }
0xe: {  	s23 =	sshrl.u32 s7, $0x3;
	[dreg:$0x3] =	wrdreg s5;
	s5 =	sadd.s32 $0xEB100, s1  }
0xf: {  	s6 =	sadd.s32 $0xEB200, s1;
	s7 =	smax.u32 s0, $0x1;
	s1 =	simm.s32 $0xC100  }
0x10: {  	[dreg:$0x7] =	wrdreg s8;
	s24 =	sadd.s32 $0x1800, s8;
	s4 =	sadd.s32 s4, s23  }
0x11: {  	v2 =	vlaneseq.u32;
	s23 =	simm.s32 $0x4100;
	[dreg:$0x4] =	wrdreg s24;
	s26 =	sadd.s32 $0x3000, s4  }
0x12: {  	vm0 =	vmmov $0xffff;
	v1 =	vshrl.u32 v2, $0x3;
	s4 =	sadd.s32 $0x4800, s4;
	s24 =	simm.s32 $0x4900;
	[dreg:$0x5] =	wrdreg s26  }
0x13: {  	v0 =	vand.u32 $0x7, v2;
	v2 =	vor.u32 $0x8, v2;
	v1 =	vmul.u32 $0x8, v1;
	[dreg:$0x6] =	wrdreg s4;
	s4 =	simm.s32 $0x2;
	s26 =	simm.s32 $0x5900  }
.LBB2_1:
0x14: {  	s15 =	rddreg [dreg:$0x3];
	s0 =	simm.s32 $0x5  }
0x15: {  	[tilespmem:s2], [sflag:$0x5] =	stream.linear.gather [hbm4b:s15+s2], $0x100, $0x38;
	[tilespmem:$0x18100] =	vst v63  }
0x16: {  	_ =	swait.ge [sflag:s0], $0x100  }
0x17: {  	[sflag:s0] =	ssyncset.done $0x0  }
0x18: {  	[sflag:s0] =	ssyncadd.s32 $0xFFFFFF00  }
0x19: {  	v3 =	vld [tilespmem:$0x0];
	_ =	sdelay $0x4  }
0x1a: {  	v4 =	vshrl.u32 v3, $0x3  }
0x1b: {  	v4 =	vmul.u32 $0x30, v4  }
0x1c: {  	v3 =	vand.u32 $0x7, v3  }
0x1d: {  	v3 =	vor.u32 v3, v4  }
0x1e: {  	v4 =	vperm.xlane v3, v0;
	_ =	sdelay $0x1  }
0x1f: {  	v4 =	vadd.s32 v1, v4;
	_ =	sdelay $0x3  }
0x20: {  	s15 =	simm.s32 $0x100;
	v3 =	vperm.xlane v3, v2  }
0x21: {  	[tilespmem:s15], [sflag:$0x1] =	stream.indirect_vreg.gather [hbm4b:s3+s2], $0x80, v4, vm0, $0xb8;
	[tilespmem:$0x18100] =	vst v63  }
0x22: {  	v3 =	vadd.s32 v1, v3  }
0x23: {  	[tilespmem:s16], [sflag:$0x1] =	stream.indirect_vreg.gather [hbm4b:s5+s2], $0x80, v4, vm0, $0xb8;
	[tilespmem:$0x18100] =	vst v63  }
0x24: {  	_ = 	snop  }
0x25: {  	[tilespmem:s17], [sflag:$0x1] =	stream.indirect_vreg.gather [hbm4b:s6+s2], $0x80, v4, vm0, $0xb8;
	[tilespmem:$0x18100] =	vst v63  }
0x26: {  	_ = 	snop  }
0x27: {  	[tilespmem:s18], [sflag:$0x1] =	stream.indirect_vreg.gather [hbm4b:s3+s2], $0x80, v3, vm0, $0xb8;
	[tilespmem:$0x18100] =	vst v63  }
0x28: {  	_ = 	snop  }
0x29: {  	[tilespmem:s19], [sflag:$0x1] =	stream.indirect_vreg.gather [hbm4b:s5+s2], $0x80, v3, vm0, $0xb8;
	[tilespmem:$0x18100] =	vst v63  }
0x2a: {  	_ = 	snop  }
0x2b: {  	[tilespmem:s20], [sflag:$0x1] =	stream.indirect_vreg.gather [hbm4b:s6+s2], $0x80, v3, vm0, $0xb8;
	[tilespmem:$0x18100] =	vst v63  }
0x2c: {  	v3 =	vld [tilespmem:$0x10];
	_ =	sdelay $0x4  }
0x2d: {  	v49 =	vshrl.u32 v3, $0x3  }
0x2e: {  	v4 =	vmul.u32 $0x30, v49  }
0x2f: {  	v3 =	vand.u32 $0x7, v3  }
0x30: {  	v3 =	vor.u32 v3, v4  }
0x31: {  	v4 =	vperm.xlane v3, v0;
	_ =	sdelay $0x1  }
0x32: {  	v4 =	vadd.s32 v1, v4;
	_ =	sdelay $0x3  }
0x33: {  	v3 =	vperm.xlane v3, v2  }
0x34: {  	[tilespmem:s21], [sflag:$0x1] =	stream.indirect_vreg.gather [hbm4b:s3+s2], $0x80, v4, vm0, $0xb8;
	[tilespmem:$0x18100] =	vst v63  }
0x35: {  	v3 =	vadd.s32 v1, v3  }
0x36: {  	[tilespmem:s22], [sflag:$0x1] =	stream.indirect_vreg.gather [hbm4b:s5+s2], $0x80, v4, vm0, $0xb8;
	[tilespmem:$0x18100] =	vst v63  }
0x37: {  	_ = 	snop  }
0x38: {  	[tilespmem:s23], [sflag:$0x1] =	stream.indirect_vreg.gather [hbm4b:s6+s2], $0x80, v4, vm0, $0xb8;
	[tilespmem:$0x18100] =	vst v63  }
0x39: {  	_ = 	snop  }
0x3a: {  	[tilespmem:s24], [sflag:$0x1] =	stream.indirect_vreg.gather [hbm4b:s3+s2], $0x80, v3, vm0, $0xb8;
	[tilespmem:$0x18100] =	vst v63  }
0x3b: {  	_ = 	snop  }
0x3c: {  	[tilespmem:s25], [sflag:$0x1] =	stream.indirect_vreg.gather [hbm4b:s5+s2], $0x80, v3, vm0, $0xb8;
	[tilespmem:$0x18100] =	vst v63  }
0x3d: {  	_ = 	snop  }
0x3e: {  	[tilespmem:s26], [sflag:$0x1] =	stream.indirect_vreg.gather [hbm4b:s6+s2], $0x80, v3, vm0, $0xb8;
	[tilespmem:$0x18100] =	vst v63  }
0x3f: {  	v3 =	vld [tilespmem:$0x20];
	_ =	sdelay $0x4  }
0x40: {  	v50 =	vshrl.u32 v3, $0x3  }
0x41: {  	v4 =	vmul.u32 $0x30, v50  }
0x42: {  	v3 =	vand.u32 $0x7, v3  }
0x43: {  	v3 =	vor.u32 v3, v4  }
0x44: {  	v4 =	vperm.xlane v3, v0;
	_ =	sdelay $0x1  }
0x45: {  	v4 =	vadd.s32 v1, v4;
	_ =	sdelay $0x3  }
0x46: {  	v3 =	vperm.xlane v3, v2  }
0x47: {  	[tilespmem:s28], [sflag:$0x1] =	stream.indirect_vreg.gather [hbm4b:s3+s2], $0x80, v4, vm0, $0xb8;
	[tilespmem:$0x18100] =	vst v63  }
0x48: {  	v3 =	vadd.s32 v1, v3  }
0x49: {  	[tilespmem:s29], [sflag:$0x1] =	stream.indirect_vreg.gather [hbm4b:s5+s2], $0x80, v4, vm0, $0xb8;
	[tilespmem:$0x18100] =	vst v63  }
0x4a: {  	_ = 	snop  }
0x4b: {  	[tilespmem:s30], [sflag:$0x1] =	stream.indirect_vreg.gather [hbm4b:s6+s2], $0x80, v4, vm0, $0xb8;
	[tilespmem:$0x18100] =	vst v63  }
0x4c: {  	_ = 	snop  }
0x4d: {  	[tilespmem:s31], [sflag:$0x1] =	stream.indirect_vreg.gather [hbm4b:s3+s2], $0x80, v3, vm0, $0xb8;
	[tilespmem:$0x18100] =	vst v63  }
0x4e: {  	s8 =	simm.s32 $0x8100  }
0x4f: {  	[tilespmem:s8], [sflag:$0x1] =	stream.indirect_vreg.gather [hbm4b:s5+s2], $0x80, v3, vm0, $0xb8;
	[tilespmem:$0x18100] =	vst v63  }
0x50: {  	s12 =	simm.s32 $0x8900  }
0x51: {  	[tilespmem:s12], [sflag:$0x1] =	stream.indirect_vreg.gather [hbm4b:s6+s2], $0x80, v3, vm0, $0xb8;
	[tilespmem:$0x18100] =	vst v63  }
0x52: {  	v3 =	vld [tilespmem:$0x30];
	_ =	sdelay $0x4  }
0x53: {  	v51 =	vshrl.u32 v3, $0x3  }
0x54: {  	v4 =	vmul.u32 $0x30, v51  }
0x55: {  	v3 =	vand.u32 $0x7, v3  }
0x56: {  	v3 =	vor.u32 v3, v4  }
0x57: {  	v4 =	vperm.xlane v3, v0;
	_ =	sdelay $0x1  }
0x58: {  	v4 =	vadd.s32 v1, v4;
	_ =	sdelay $0x3  }
0x59: {  	v3 =	vperm.xlane v3, v2  }
0x5a: {  	[tilespmem:s11], [sflag:$0x1] =	stream.indirect_vreg.gather [hbm4b:s3+s2], $0x80, v4, vm0, $0xb8;
	[tilespmem:$0x18100] =	vst v63  }
0x5b: {  	s8 =	simm.s32 $0x9900;
	v3 =	vadd.s32 v1, v3  }
0x5c: {  	[tilespmem:s8], [sflag:$0x1] =	stream.indirect_vreg.gather [hbm4b:s5+s2], $0x80, v4, vm0, $0xb8;
	[tilespmem:$0x18100] =	vst v63  }
0x5d: {  	_ = 	snop  }
0x5e: {  	[tilespmem:s9], [sflag:$0x1] =	stream.indirect_vreg.gather [hbm4b:s6+s2], $0x80, v4, vm0, $0xb8;
	[tilespmem:$0x18100] =	vst v63  }
0x5f: {  	s15 =	simm.s32 $0xA900  }
0x60: {  	[tilespmem:s15], [sflag:$0x1] =	stream.indirect_vreg.gather [hbm4b:s3+s2], $0x80, v3, vm0, $0xb8;
	[tilespmem:$0x18100] =	vst v63  }
0x61: {  	_ = 	snop  }
0x62: {  	[tilespmem:s10], [sflag:$0x1] =	stream.indirect_vreg.gather [hbm4b:s5+s2], $0x80, v3, vm0, $0xb8;
	[tilespmem:$0x18100] =	vst v63  }
0x63: {  	s0 =	simm.s32 $0x1;
	s12 =	simm.s32 $0xB900  }
0x64: {  	[tilespmem:s12], [sflag:$0x1] =	stream.indirect_vreg.gather [hbm4b:s6+s2], $0x80, v3, vm0, $0xb8;
	[tilespmem:$0x18100] =	vst v63  }
0x65: {  	_ =	swait.ge [sflag:s0], $0xC000  }
0x66: {  	[sflag:s0] =	ssyncset.done $0x0  }
0x67: {  	[sflag:s0] =	ssyncadd.s32 $0xFFFF4000  }
0x68: {  	v3 =	vld [tilespmem:$0x40];
	_ =	sdelay $0x4  }
0x69: {  	v52 =	vshrl.u32 v3, $0x3  }
0x6a: {  	v4 =	vmul.u32 $0x30, v52  }
0x6b: {  	v3 =	vand.u32 $0x7, v3  }
0x6c: {  	v3 =	vor.u32 v3, v4  }
0x6d: {  	v4 =	vperm.xlane v3, v0;
	_ =	sdelay $0x1  }
0x6e: {  	v4 =	vadd.s32 v1, v4;
	_ =	sdelay $0x3  }
0x6f: {  	v3 =	vperm.xlane v3, v2  }
0x70: {  	[tilespmem:s1], [sflag:$0x2] =	stream.indirect_vreg.gather [hbm4b:s3+s2], $0x80, v4, vm0, $0xb8;
	[tilespmem:$0x18100] =	vst v63  }
0x71: {  	s12 =	simm.s32 $0xC900;
	v3 =	vadd.s32 v1, v3  }
0x72: {  	[tilespmem:s12], [sflag:$0x2] =	stream.indirect_vreg.gather [hbm4b:s5+s2], $0x80, v4, vm0, $0xb8;
	[tilespmem:$0x18100] =	vst v63  }
0x73: {  	s15 =	simm.s32 $0xD100  }
0x74: {  	[tilespmem:s15], [sflag:$0x2] =	stream.indirect_vreg.gather [hbm4b:s6+s2], $0x80, v4, vm0, $0xb8;
	[tilespmem:$0x18100] =	vst v63  }
0x75: {  	s15 =	simm.s32 $0xD900  }
0x76: {  	[tilespmem:s15], [sflag:$0x2] =	stream.indirect_vreg.gather [hbm4b:s3+s2], $0x80, v3, vm0, $0xb8;
	[tilespmem:$0x18100] =	vst v63  }
0x77: {  	s15 =	simm.s32 $0xE100  }
0x78: {  	[tilespmem:s15], [sflag:$0x2] =	stream.indirect_vreg.gather [hbm4b:s5+s2], $0x80, v3, vm0, $0xb8;
	[tilespmem:$0x18100] =	vst v63  }
0x79: {  	s15 =	simm.s32 $0xE900  }
0x7a: {  	[tilespmem:s15], [sflag:$0x2] =	stream.indirect_vreg.gather [hbm4b:s6+s2], $0x80, v3, vm0, $0xb8;
	[tilespmem:$0x18100] =	vst v63  }
0x7b: {  	v3 =	vld [tilespmem:$0x50];
	_ =	sdelay $0x4  }
0x7c: {  	v53 =	vshrl.u32 v3, $0x3  }
0x7d: {  	v4 =	vmul.u32 $0x30, v53  }
0x7e: {  	v3 =	vand.u32 $0x7, v3  }
0x7f: {  	v3 =	vor.u32 v3, v4  }
0x80: {  	v4 =	vperm.xlane v3, v0;
	_ =	sdelay $0x1  }
0x81: {  	v4 =	vadd.s32 v1, v4;
	_ =	sdelay $0x3  }
0x82: {  	s15 =	simm.s32 $0xF100;
	v3 =	vperm.xlane v3, v2  }
0x83: {  	[tilespmem:s15], [sflag:$0x2] =	stream.indirect_vreg.gather [hbm4b:s3+s2], $0x80, v4, vm0, $0xb8;
	[tilespmem:$0x18100] =	vst v63  }
0x84: {  	v3 =	vadd.s32 v1, v3;
	s15 =	simm.s32 $0xF900  }
0x85: {  	[tilespmem:s15], [sflag:$0x2] =	stream.indirect_vreg.gather [hbm4b:s5+s2], $0x80, v4, vm0, $0xb8;
	[tilespmem:$0x18100] =	vst v63  }
0x86: {  	s15 =	simm.s32 $0x10100  }
0x87: {  	[tilespmem:s15], [sflag:$0x2] =	stream.indirect_vreg.gather [hbm4b:s6+s2], $0x80, v4, vm0, $0xb8;
	[tilespmem:$0x18100] =	vst v63  }
0x88: {  	s15 =	simm.s32 $0x10900  }
0x89: {  	[tilespmem:s15], [sflag:$0x2] =	stream.indirect_vreg.gather [hbm4b:s3+s2], $0x80, v3, vm0, $0xb8;
	[tilespmem:$0x18100] =	vst v63  }
0x8a: {  	s15 =	simm.s32 $0x11100  }
0x8b: {  	[tilespmem:s15], [sflag:$0x2] =	stream.indirect_vreg.gather [hbm4b:s5+s2], $0x80, v3, vm0, $0xb8;
	[tilespmem:$0x18100] =	vst v63  }
0x8c: {  	s15 =	simm.s32 $0x11900  }
0x8d: {  	[tilespmem:s15], [sflag:$0x2] =	stream.indirect_vreg.gather [hbm4b:s6+s2], $0x80, v3, vm0, $0xb8;
	[tilespmem:$0x18100] =	vst v63  }
0x8e: {  	v3 =	vld [tilespmem:$0x60];
	_ =	sdelay $0x4  }
0x8f: {  	v54 =	vshrl.u32 v3, $0x3  }
0x90: {  	v4 =	vmul.u32 $0x30, v54  }
0x91: {  	v3 =	vand.u32 $0x7, v3  }
0x92: {  	v3 =	vor.u32 v3, v4  }
0x93: {  	v4 =	vperm.xlane v3, v0;
	_ =	sdelay $0x1  }
0x94: {  	v4 =	vadd.s32 v1, v4;
	_ =	sdelay $0x3  }
0x95: {  	s15 =	simm.s32 $0x12100;
	v3 =	vperm.xlane v3, v2  }
0x96: {  	[tilespmem:s15], [sflag:$0x2] =	stream.indirect_vreg.gather [hbm4b:s3+s2], $0x80, v4, vm0, $0xb8;
	[tilespmem:$0x18100] =	vst v63  }
0x97: {  	v3 =	vadd.s32 v1, v3;
	s15 =	simm.s32 $0x12900  }
0x98: {  	[tilespmem:s15], [sflag:$0x2] =	stream.indirect_vreg.gather [hbm4b:s5+s2], $0x80, v4, vm0, $0xb8;
	[tilespmem:$0x18100] =	vst v63  }
0x99: {  	s15 =	simm.s32 $0x13100  }
0x9a: {  	[tilespmem:s15], [sflag:$0x2] =	stream.indirect_vreg.gather [hbm4b:s6+s2], $0x80, v4, vm0, $0xb8;
	[tilespmem:$0x18100] =	vst v63  }
0x9b: {  	s15 =	simm.s32 $0x13900  }
0x9c: {  	[tilespmem:s15], [sflag:$0x2] =	stream.indirect_vreg.gather [hbm4b:s3+s2], $0x80, v3, vm0, $0xb8;
	[tilespmem:$0x18100] =	vst v63  }
0x9d: {  	s15 =	simm.s32 $0x14100  }
0x9e: {  	[tilespmem:s15], [sflag:$0x2] =	stream.indirect_vreg.gather [hbm4b:s5+s2], $0x80, v3, vm0, $0xb8;
	[tilespmem:$0x18100] =	vst v63  }
0x9f: {  	s15 =	simm.s32 $0x14900  }
0xa0: {  	[tilespmem:s15], [sflag:$0x2] =	stream.indirect_vreg.gather [hbm4b:s6+s2], $0x80, v3, vm0, $0xb8;
	[tilespmem:$0x18100] =	vst v63  }
0xa1: {  	v3 =	vld [tilespmem:$0x70];
	_ =	sdelay $0x4  }
0xa2: {  	v55 =	vshrl.u32 v3, $0x3  }
0xa3: {  	v4 =	vmul.u32 $0x30, v55  }
0xa4: {  	v3 =	vand.u32 $0x7, v3  }
0xa5: {  	v3 =	vor.u32 v3, v4  }
0xa6: {  	v4 =	vperm.xlane v3, v0;
	_ =	sdelay $0x1  }
0xa7: {  	v4 =	vadd.s32 v1, v4;
	_ =	sdelay $0x3  }
0xa8: {  	s15 =	simm.s32 $0x15100;
	v3 =	vperm.xlane v3, v2  }
0xa9: {  	[tilespmem:s15], [sflag:$0x2] =	stream.indirect_vreg.gather [hbm4b:s3+s2], $0x80, v4, vm0, $0xb8;
	[tilespmem:$0x18100] =	vst v63  }
0xaa: {  	v3 =	vadd.s32 v1, v3;
	s15 =	simm.s32 $0x15900  }
0xab: {  	[tilespmem:s15], [sflag:$0x2] =	stream.indirect_vreg.gather [hbm4b:s5+s2], $0x80, v4, vm0, $0xb8;
	[tilespmem:$0x18100] =	vst v63  }
0xac: {  	s15 =	simm.s32 $0x16100  }
0xad: {  	[tilespmem:s15], [sflag:$0x2] =	stream.indirect_vreg.gather [hbm4b:s6+s2], $0x80, v4, vm0, $0xb8;
	[tilespmem:$0x18100] =	vst v63  }
0xae: {  	s15 =	simm.s32 $0x16900  }
0xaf: {  	[tilespmem:s15], [sflag:$0x2] =	stream.indirect_vreg.gather [hbm4b:s3+s2], $0x80, v3, vm0, $0xb8;
	[tilespmem:$0x18100] =	vst v63  }
0xb0: {  	s15 =	simm.s32 $0x17100  }
0xb1: {  	[tilespmem:s15], [sflag:$0x2] =	stream.indirect_vreg.gather [hbm4b:s5+s2], $0x80, v3, vm0, $0xb8;
	[tilespmem:$0x18100] =	vst v63  }
0xb2: {  	s15 =	simm.s32 $0x17900  }
0xb3: {  	[tilespmem:s15], [sflag:$0x2] =	stream.indirect_vreg.gather [hbm4b:s6+s2], $0x80, v3, vm0, $0xb8;
	[tilespmem:$0x18100] =	vst v63  }
0xb4: {  	s12 =	simm.s32 $0x100;
	s15 =	rddreg [dreg:$0x7]  }
0xb5: {  	[hbm4b:s15+s2] =	stream.linear.scatter [tilespmem:s12], [sflag:$0x3], $0xC000, $0x38;
	[tilespmem:$0x18100] =	vst v63  }
0xb6: {  	_ =	swait.ge [sflag:s4], $0xC000  }
0xb7: {  	[sflag:s4] =	ssyncset.done $0x0  }
0xb8: {  	[sflag:s4] =	ssyncadd.s32 $0xFFFF4000  }
0xb9: {  	_ =	swait.ge [sflag:s13], $0xC000  }
0xba: {  	[sflag:s13] =	ssyncset.done $0x0  }
0xbb: {  	[sflag:s13] =	ssyncadd.s32 $0xFFFF4000  }
0xbc: {  	v3 =	vld [tilespmem:$0x80];
	_ =	sdelay $0x4  }
0xbd: {  	v56 =	vshrl.u32 v3, $0x3  }
0xbe: {  	v4 =	vmul.u32 $0x30, v56  }
0xbf: {  	v3 =	vand.u32 $0x7, v3  }
0xc0: {  	v3 =	vor.u32 v3, v4  }
0xc1: {  	v4 =	vperm.xlane v3, v0;
	_ =	sdelay $0x1  }
0xc2: {  	v4 =	vadd.s32 v1, v4;
	_ =	sdelay $0x3  }
0xc3: {  	v3 =	vperm.xlane v3, v2  }
0xc4: {  	[tilespmem:s12], [sflag:$0x1] =	stream.indirect_vreg.gather [hbm4b:s3+s2], $0x80, v4, vm0, $0xb8;
	[tilespmem:$0x18100] =	vst v63  }
0xc5: {  	v3 =	vadd.s32 v1, v3  }
0xc6: {  	[tilespmem:s16], [sflag:$0x1] =	stream.indirect_vreg.gather [hbm4b:s5+s2], $0x80, v4, vm0, $0xb8;
	[tilespmem:$0x18100] =	vst v63  }
0xc7: {  	_ = 	snop  }
0xc8: {  	[tilespmem:s17], [sflag:$0x1] =	stream.indirect_vreg.gather [hbm4b:s6+s2], $0x80, v4, vm0, $0xb8;
	[tilespmem:$0x18100] =	vst v63  }
0xc9: {  	_ = 	snop  }
0xca: {  	[tilespmem:s18], [sflag:$0x1] =	stream.indirect_vreg.gather [hbm4b:s3+s2], $0x80, v3, vm0, $0xb8;
	[tilespmem:$0x18100] =	vst v63  }
0xcb: {  	_ = 	snop  }
0xcc: {  	[tilespmem:s19], [sflag:$0x1] =	stream.indirect_vreg.gather [hbm4b:s5+s2], $0x80, v3, vm0, $0xb8;
	[tilespmem:$0x18100] =	vst v63  }
0xcd: {  	_ = 	snop  }
0xce: {  	[tilespmem:s20], [sflag:$0x1] =	stream.indirect_vreg.gather [hbm4b:s6+s2], $0x80, v3, vm0, $0xb8;
	[tilespmem:$0x18100] =	vst v63  }
0xcf: {  	v3 =	vld [tilespmem:$0x90];
	_ =	sdelay $0x4  }
0xd0: {  	v57 =	vshrl.u32 v3, $0x3  }
0xd1: {  	v4 =	vmul.u32 $0x30, v57  }
0xd2: {  	v3 =	vand.u32 $0x7, v3  }
0xd3: {  	v3 =	vor.u32 v3, v4  }
0xd4: {  	v4 =	vperm.xlane v3, v0;
	_ =	sdelay $0x1  }
0xd5: {  	v4 =	vadd.s32 v1, v4;
	_ =	sdelay $0x3  }
0xd6: {  	v3 =	vperm.xlane v3, v2  }
0xd7: {  	[tilespmem:s21], [sflag:$0x1] =	stream.indirect_vreg.gather [hbm4b:s3+s2], $0x80, v4, vm0, $0xb8;
	[tilespmem:$0x18100] =	vst v63  }
0xd8: {  	v3 =	vadd.s32 v1, v3  }
0xd9: {  	[tilespmem:s22], [sflag:$0x1] =	stream.indirect_vreg.gather [hbm4b:s5+s2], $0x80, v4, vm0, $0xb8;
	[tilespmem:$0x18100] =	vst v63  }
0xda: {  	_ = 	snop  }
0xdb: {  	[tilespmem:s23], [sflag:$0x1] =	stream.indirect_vreg.gather [hbm4b:s6+s2], $0x80, v4, vm0, $0xb8;
	[tilespmem:$0x18100] =	vst v63  }
0xdc: {  	_ = 	snop  }
0xdd: {  	[tilespmem:s24], [sflag:$0x1] =	stream.indirect_vreg.gather [hbm4b:s3+s2], $0x80, v3, vm0, $0xb8;
	[tilespmem:$0x18100] =	vst v63  }
0xde: {  	_ = 	snop  }
0xdf: {  	[tilespmem:s25], [sflag:$0x1] =	stream.indirect_vreg.gather [hbm4b:s5+s2], $0x80, v3, vm0, $0xb8;
	[tilespmem:$0x18100] =	vst v63  }
0xe0: {  	_ = 	snop  }
0xe1: {  	[tilespmem:s26], [sflag:$0x1] =	stream.indirect_vreg.gather [hbm4b:s6+s2], $0x80, v3, vm0, $0xb8;
	[tilespmem:$0x18100] =	vst v63  }
0xe2: {  	v3 =	vld [tilespmem:$0xA0];
	_ =	sdelay $0x4  }
0xe3: {  	v58 =	vshrl.u32 v3, $0x3  }
0xe4: {  	v4 =	vmul.u32 $0x30, v58  }
0xe5: {  	v3 =	vand.u32 $0x7, v3  }
0xe6: {  	v3 =	vor.u32 v3, v4  }
0xe7: {  	v4 =	vperm.xlane v3, v0;
	_ =	sdelay $0x1  }
0xe8: {  	v4 =	vadd.s32 v1, v4;
	_ =	sdelay $0x3  }
0xe9: {  	v3 =	vperm.xlane v3, v2  }
0xea: {  	[tilespmem:s28], [sflag:$0x1] =	stream.indirect_vreg.gather [hbm4b:s3+s2], $0x80, v4, vm0, $0xb8;
	[tilespmem:$0x18100] =	vst v63  }
0xeb: {  	v3 =	vadd.s32 v1, v3  }
0xec: {  	[tilespmem:s29], [sflag:$0x1] =	stream.indirect_vreg.gather [hbm4b:s5+s2], $0x80, v4, vm0, $0xb8;
	[tilespmem:$0x18100] =	vst v63  }
0xed: {  	_ = 	snop  }
0xee: {  	[tilespmem:s30], [sflag:$0x1] =	stream.indirect_vreg.gather [hbm4b:s6+s2], $0x80, v4, vm0, $0xb8;
	[tilespmem:$0x18100] =	vst v63  }
0xef: {  	_ = 	snop  }
0xf0: {  	[tilespmem:s31], [sflag:$0x1] =	stream.indirect_vreg.gather [hbm4b:s3+s2], $0x80, v3, vm0, $0xb8;
	[tilespmem:$0x18100] =	vst v63  }
0xf1: {  	s15 =	simm.s32 $0x8100  }
0xf2: {  	[tilespmem:s15], [sflag:$0x1] =	stream.indirect_vreg.gather [hbm4b:s5+s2], $0x80, v3, vm0, $0xb8;
	[tilespmem:$0x18100] =	vst v63  }
0xf3: {  	s15 =	simm.s32 $0x8900  }
0xf4: {  	[tilespmem:s15], [sflag:$0x1] =	stream.indirect_vreg.gather [hbm4b:s6+s2], $0x80, v3, vm0, $0xb8;
	[tilespmem:$0x18100] =	vst v63  }
0xf5: {  	v3 =	vld [tilespmem:$0xB0];
	_ =	sdelay $0x4  }
0xf6: {  	v59 =	vshrl.u32 v3, $0x3  }
0xf7: {  	v4 =	vmul.u32 $0x30, v59  }
0xf8: {  	v3 =	vand.u32 $0x7, v3  }
0xf9: {  	v3 =	vor.u32 v3, v4  }
0xfa: {  	v4 =	vperm.xlane v3, v0;
	_ =	sdelay $0x1  }
0xfb: {  	v4 =	vadd.s32 v1, v4;
	_ =	sdelay $0x3  }
0xfc: {  	v3 =	vperm.xlane v3, v2  }
0xfd: {  	[tilespmem:s11], [sflag:$0x1] =	stream.indirect_vreg.gather [hbm4b:s3+s2], $0x80, v4, vm0, $0xb8;
	[tilespmem:$0x18100] =	vst v63  }
0xfe: {  	v3 =	vadd.s32 v1, v3  }
0xff: {  	[tilespmem:s8], [sflag:$0x1] =	stream.indirect_vreg.gather [hbm4b:s5+s2], $0x80, v4, vm0, $0xb8;
	[tilespmem:$0x18100] =	vst v63  }
0x100: {  	_ = 	snop  }
0x101: {  	[tilespmem:s9], [sflag:$0x1] =	stream.indirect_vreg.gather [hbm4b:s6+s2], $0x80, v4, vm0, $0xb8;
	[tilespmem:$0x18100] =	vst v63  }
0x102: {  	s15 =	simm.s32 $0xA900  }
0x103: {  	[tilespmem:s15], [sflag:$0x1] =	stream.indirect_vreg.gather [hbm4b:s3+s2], $0x80, v3, vm0, $0xb8;
	[tilespmem:$0x18100] =	vst v63  }
0x104: {  	_ = 	snop  }
0x105: {  	[tilespmem:s10], [sflag:$0x1] =	stream.indirect_vreg.gather [hbm4b:s5+s2], $0x80, v3, vm0, $0xb8;
	[tilespmem:$0x18100] =	vst v63  }
0x106: {  	s12 =	simm.s32 $0xB900  }
0x107: {  	[tilespmem:s12], [sflag:$0x1] =	stream.indirect_vreg.gather [hbm4b:s6+s2], $0x80, v3, vm0, $0xb8;
	[tilespmem:$0x18100] =	vst v63  }
0x108: {  	s15 =	rddreg [dreg:$0x4]  }
0x109: {  	[hbm4b:s15+s2] =	stream.linear.scatter [tilespmem:s1], [sflag:$0x4], $0xC000, $0x38;
	[tilespmem:$0x18100] =	vst v63  }
0x10a: {  	_ =	swait.ge [sflag:s0], $0xC000  }
0x10b: {  	[sflag:s0] =	ssyncset.done $0x0  }
0x10c: {  	[sflag:s0] =	ssyncadd.s32 $0xFFFF4000  }
0x10d: {  	_ =	swait.ge [sflag:s14], $0xC000  }
0x10e: {  	[sflag:s14] =	ssyncset.done $0x0  }
0x10f: {  	[sflag:s14] =	ssyncadd.s32 $0xFFFF4000  }
0x110: {  	v3 =	vld [tilespmem:$0xC0];
	_ =	sdelay $0x4  }
0x111: {  	v60 =	vshrl.u32 v3, $0x3  }
0x112: {  	v4 =	vmul.u32 $0x30, v60  }
0x113: {  	v3 =	vand.u32 $0x7, v3  }
0x114: {  	v3 =	vor.u32 v3, v4  }
0x115: {  	v4 =	vperm.xlane v3, v0;
	_ =	sdelay $0x1  }
0x116: {  	v4 =	vadd.s32 v1, v4;
	_ =	sdelay $0x3  }
0x117: {  	v3 =	vperm.xlane v3, v2  }
0x118: {  	[tilespmem:s1], [sflag:$0x2] =	stream.indirect_vreg.gather [hbm4b:s3+s2], $0x80, v4, vm0, $0xb8;
	[tilespmem:$0x18100] =	vst v63  }
0x119: {  	s8 =	simm.s32 $0xC900;
	v3 =	vadd.s32 v1, v3  }
0x11a: {  	[tilespmem:s8], [sflag:$0x2] =	stream.indirect_vreg.gather [hbm4b:s5+s2], $0x80, v4, vm0, $0xb8;
	[tilespmem:$0x18100] =	vst v63  }
0x11b: {  	s12 =	simm.s32 $0xD100  }
0x11c: {  	[tilespmem:s12], [sflag:$0x2] =	stream.indirect_vreg.gather [hbm4b:s6+s2], $0x80, v4, vm0, $0xb8;
	[tilespmem:$0x18100] =	vst v63  }
0x11d: {  	s15 =	simm.s32 $0xD900  }
0x11e: {  	[tilespmem:s15], [sflag:$0x2] =	stream.indirect_vreg.gather [hbm4b:s3+s2], $0x80, v3, vm0, $0xb8;
	[tilespmem:$0x18100] =	vst v63  }
0x11f: {  	s8 =	simm.s32 $0xE100  }
0x120: {  	[tilespmem:s8], [sflag:$0x2] =	stream.indirect_vreg.gather [hbm4b:s5+s2], $0x80, v3, vm0, $0xb8;
	[tilespmem:$0x18100] =	vst v63  }
0x121: {  	s12 =	simm.s32 $0xE900  }
0x122: {  	[tilespmem:s12], [sflag:$0x2] =	stream.indirect_vreg.gather [hbm4b:s6+s2], $0x80, v3, vm0, $0xb8;
	[tilespmem:$0x18100] =	vst v63  }
0x123: {  	v3 =	vld [tilespmem:$0xD0];
	_ =	sdelay $0x4  }
0x124: {  	v61 =	vshrl.u32 v3, $0x3  }
0x125: {  	v4 =	vmul.u32 $0x30, v61  }
0x126: {  	v3 =	vand.u32 $0x7, v3  }
0x127: {  	v3 =	vor.u32 v3, v4  }
0x128: {  	v4 =	vperm.xlane v3, v0;
	_ =	sdelay $0x1  }
0x129: {  	v4 =	vadd.s32 v1, v4;
	_ =	sdelay $0x3  }
0x12a: {  	s15 =	simm.s32 $0xF100;
	v3 =	vperm.xlane v3, v2  }
0x12b: {  	[tilespmem:s15], [sflag:$0x2] =	stream.indirect_vreg.gather [hbm4b:s3+s2], $0x80, v4, vm0, $0xb8;
	[tilespmem:$0x18100] =	vst v63  }
0x12c: {  	s8 =	simm.s32 $0xF900;
	v3 =	vadd.s32 v1, v3  }
0x12d: {  	[tilespmem:s8], [sflag:$0x2] =	stream.indirect_vreg.gather [hbm4b:s5+s2], $0x80, v4, vm0, $0xb8;
	[tilespmem:$0x18100] =	vst v63  }
0x12e: {  	s12 =	simm.s32 $0x10100  }
0x12f: {  	[tilespmem:s12], [sflag:$0x2] =	stream.indirect_vreg.gather [hbm4b:s6+s2], $0x80, v4, vm0, $0xb8;
	[tilespmem:$0x18100] =	vst v63  }
0x130: {  	s15 =	simm.s32 $0x10900  }
0x131: {  	[tilespmem:s15], [sflag:$0x2] =	stream.indirect_vreg.gather [hbm4b:s3+s2], $0x80, v3, vm0, $0xb8;
	[tilespmem:$0x18100] =	vst v63  }
0x132: {  	s8 =	simm.s32 $0x11100  }
0x133: {  	[tilespmem:s8], [sflag:$0x2] =	stream.indirect_vreg.gather [hbm4b:s5+s2], $0x80, v3, vm0, $0xb8;
	[tilespmem:$0x18100] =	vst v63  }
0x134: {  	s12 =	simm.s32 $0x11900  }
0x135: {  	[tilespmem:s12], [sflag:$0x2] =	stream.indirect_vreg.gather [hbm4b:s6+s2], $0x80, v3, vm0, $0xb8;
	[tilespmem:$0x18100] =	vst v63  }
0x136: {  	v3 =	vld [tilespmem:$0xE0];
	_ =	sdelay $0x4  }
0x137: {  	v62 =	vshrl.u32 v3, $0x3  }
0x138: {  	v4 =	vmul.u32 $0x30, v62  }
0x139: {  	v3 =	vand.u32 $0x7, v3  }
0x13a: {  	v3 =	vor.u32 v3, v4  }
0x13b: {  	v4 =	vperm.xlane v3, v0;
	_ =	sdelay $0x1  }
0x13c: {  	v4 =	vadd.s32 v1, v4;
	_ =	sdelay $0x3  }
0x13d: {  	s15 =	simm.s32 $0x12100;
	v3 =	vperm.xlane v3, v2  }
0x13e: {  	[tilespmem:s15], [sflag:$0x2] =	stream.indirect_vreg.gather [hbm4b:s3+s2], $0x80, v4, vm0, $0xb8;
	[tilespmem:$0x18100] =	vst v63  }
0x13f: {  	s8 =	simm.s32 $0x12900;
	v3 =	vadd.s32 v1, v3  }
0x140: {  	[tilespmem:s8], [sflag:$0x2] =	stream.indirect_vreg.gather [hbm4b:s5+s2], $0x80, v4, vm0, $0xb8;
	[tilespmem:$0x18100] =	vst v63  }
0x141: {  	s12 =	simm.s32 $0x13100  }
0x142: {  	[tilespmem:s12], [sflag:$0x2] =	stream.indirect_vreg.gather [hbm4b:s6+s2], $0x80, v4, vm0, $0xb8;
	[tilespmem:$0x18100] =	vst v63  }
0x143: {  	s15 =	simm.s32 $0x13900  }
0x144: {  	[tilespmem:s15], [sflag:$0x2] =	stream.indirect_vreg.gather [hbm4b:s3+s2], $0x80, v3, vm0, $0xb8;
	[tilespmem:$0x18100] =	vst v63  }
0x145: {  	s8 =	simm.s32 $0x14100  }
0x146: {  	[tilespmem:s8], [sflag:$0x2] =	stream.indirect_vreg.gather [hbm4b:s5+s2], $0x80, v3, vm0, $0xb8;
	[tilespmem:$0x18100] =	vst v63  }
0x147: {  	s12 =	simm.s32 $0x14900  }
0x148: {  	[tilespmem:s12], [sflag:$0x2] =	stream.indirect_vreg.gather [hbm4b:s6+s2], $0x80, v3, vm0, $0xb8;
	[tilespmem:$0x18100] =	vst v63  }
0x149: {  	v3 =	vld [tilespmem:$0xF0];
	_ =	sdelay $0x4  }
0x14a: {  	v63 =	vshrl.u32 v3, $0x3  }
0x14b: {  	v4 =	vmul.u32 $0x30, v63  }
0x14c: {  	v3 =	vand.u32 $0x7, v3  }
0x14d: {  	v3 =	vor.u32 v3, v4  }
0x14e: {  	v4 =	vperm.xlane v3, v0;
	_ =	sdelay $0x1  }
0x14f: {  	v4 =	vadd.s32 v1, v4;
	_ =	sdelay $0x3  }
0x150: {  	s15 =	simm.s32 $0x15100;
	v3 =	vperm.xlane v3, v2  }
0x151: {  	[tilespmem:s15], [sflag:$0x2] =	stream.indirect_vreg.gather [hbm4b:s3+s2], $0x80, v4, vm0, $0xb8;
	[tilespmem:$0x18100] =	vst v63  }
0x152: {  	s8 =	simm.s32 $0x15900;
	v3 =	vadd.s32 v1, v3  }
0x153: {  	[tilespmem:s8], [sflag:$0x2] =	stream.indirect_vreg.gather [hbm4b:s5+s2], $0x80, v4, vm0, $0xb8;
	[tilespmem:$0x18100] =	vst v63  }
0x154: {  	s12 =	simm.s32 $0x16100  }
0x155: {  	[tilespmem:s12], [sflag:$0x2] =	stream.indirect_vreg.gather [hbm4b:s6+s2], $0x80, v4, vm0, $0xb8;
	[tilespmem:$0x18100] =	vst v63  }
0x156: {  	s15 =	simm.s32 $0x16900  }
0x157: {  	[tilespmem:s15], [sflag:$0x2] =	stream.indirect_vreg.gather [hbm4b:s3+s2], $0x80, v3, vm0, $0xb8;
	[tilespmem:$0x18100] =	vst v63  }
0x158: {  	s8 =	simm.s32 $0x17100  }
0x159: {  	[tilespmem:s8], [sflag:$0x2] =	stream.indirect_vreg.gather [hbm4b:s5+s2], $0x80, v3, vm0, $0xb8;
	[tilespmem:$0x18100] =	vst v63  }
0x15a: {  	s12 =	simm.s32 $0x17900  }
0x15b: {  	[tilespmem:s12], [sflag:$0x2] =	stream.indirect_vreg.gather [hbm4b:s6+s2], $0x80, v3, vm0, $0xb8;
	[tilespmem:$0x18100] =	vst v63  }
0x15c: {  	s15 =	rddreg [dreg:$0x5];
	s8 =	simm.s32 $0x100  }
0x15d: {  	[hbm4b:s15+s2] =	stream.linear.scatter [tilespmem:s8], [sflag:$0x3], $0xC000, $0x38;
	[tilespmem:$0x18100] =	vst v63  }
0x15e: {  	_ =	swait.ge [sflag:s4], $0xC000  }
0x15f: {  	[sflag:s4] =	ssyncset.done $0x0  }
0x160: {  	s12 =	rddreg [dreg:$0x6];
	[sflag:s4] =	ssyncadd.s32 $0xFFFF4000  }
0x161: {  	[hbm4b:s12+s2] =	stream.linear.scatter [tilespmem:s1], [sflag:$0x4], $0xC000, $0x38;
	[tilespmem:$0x18100] =	vst v63  }
0x162: {  	p0 =	sne.s32 s7, $0x1;
	_ =	swait.ge [sflag:s13], $0xC000  }
.Ltmp0:
0x163: {  	[sflag:s13] =	ssyncset.done $0x0;
	(pc) =	sbr.rel @p0 .LBB2_1-.Ltmp0, $4  }
0x164: {  	[sflag:s13] =	ssyncadd.s32 $0xFFFF4000  }
0x165: {  	_ =	swait.ge [sflag:s14], $0xC000  }
0x166: {  	[sflag:s14] =	ssyncset.done $0x0  }
0x167: {  	s7 =	sadd.s32 $0xFFFFFFFF, s7;
	[sflag:s14] =	ssyncadd.s32 $0xFFFF4000  }
0x168: {  	_ =	sfence.sel $0x180000  }
0x169: {  	[bflag:$0x0] =	sbarrier.arrive $0xFFFF  }
0x16a: {  	_ =	strace $0x9000004A  }
0x16b: {  	s0 =	stileid.u32;
	[bflag:$0x2] =	sbarrier.arrive $0xFFFF  }
0x16c: {  	p0 =	sne.s32 s0, $0x0;
	s0 =	rddreg [dreg:$0x2]  }
0x16d: {  	s0 =	sadd.s32 @!p0 $0x100000, s0  }
0x16e: {  	[sflag:s0] =	ssyncadd.tile.s32 @!p0 $0x1;
	_ =	shalt  }
.Lfunc_end2:
_tile_overlayer_lowered:
.L_overlay_start_2:
0x16f: {  	(tag) =	ssettag $0x2  }
0x170: {  	s0 =	rddreg [dreg:$0x0];
	s2 =	stileid.u32  }
0x171: {  	s1 =	rddreg [dreg:$0x1];
	p0 =	sne.s32 s2, $0x0  }
0x172: {  	s3 =	rddreg [dreg:$0x2];
	[bflag:$0x3] =	sbarrier.arrive $0xFFFF;
	s2 =	simm.s32 @!p0 $0x1C05  }
0x173: {  	[timem:s3], [sflag:s2] =	dma.local @!p0 [hbm:s0], s1  }
0x174: {  	s0 =	simm.s32 @!p0 $0x5  }
0x175: {  	_ =	swait.ge @!p0 [sflag:s0], s1  }
0x176: {  	s1 =	ssub.s32 @!p0 $0x0, s1;
	[sflag:s0] =	ssyncset.done @!p0 $0x0  }
0x177: {  	[sflag:s0] =	ssyncadd.s32 @!p0 s1  }
0x178: {  	[bflag:$0x3] =	sbarrier.arrive $0xFFFF  }
0x179: {  	_ =	shalt  }

</sc_bundles>
